<compile_context>
chip_gen: v7x
topology: tpu7x:2x2x1
jax: 0.10.2.dev20260603
libtpu: 0.0.44.dev20260713+nightly
codegen_flags: <defaults>
</compile_context>

<pallas_src>
import functools

import jax
import jax.numpy as jnp
from jax import lax
from jax.experimental import pallas as pl
from jax.experimental.pallas import tpu as pltpu
from jax.experimental.pallas import tpu_sc as plsc

_N_LEVELS = 16
_OFFS = [0, 4913, 17080, 46871, 126378, 331757, 856045, 1380333, 1904621,
         2428909, 2953197, 3477485, 4001773, 4526061, 5050349, 5574637, 6098925]
_RES = [16, 22, 30, 42, 58, 80, 111, 154, 212, 294, 406, 561, 776, 1072, 1482, 2048]
_P1 = -1640531535
_P2 = 805459861
_MASK = 524287
_N_DENSE = 5

_B = 131072
_NC, _NS = 2, 16
_NW = _NC * _NS
_PW = _B // _NW
_N = 256
_NSUB = _PW // _N
_NV = _N // 16
_GCH = 128
_G = 8 * _N // _GCH

_V = _OFFS[-1]
_VPAD = -(-_V // 8) * 8
_NLINES = _VPAD // 8

_f32 = jnp.float32
_i32 = jnp.int32


_LPW = 23823
_TAIL0 = 32 * _LPW
_NTAIL = _NLINES - _TAIL0
_LB = 1024
_NBULK = _LPW // _LB
_LREM = _LPW - _NBULK * _LB


@functools.cache
def _build_interleave():
    mesh = plsc.VectorSubcoreMesh(core_axis_name="c", subcore_axis_name="s")

    @functools.partial(
        pl.kernel,
        out_type=jax.ShapeDtypeStruct((_NLINES, 16), _f32),
        mesh=mesh,
        compiler_params=pltpu.CompilerParams(needs_layout_passes=False,
                                             use_tc_tiling_on_sc=False),
        scratch_types=[
            pltpu.VMEM((8 * _LB,), _f32),
            pltpu.VMEM((8 * _LB,), _f32),
            pltpu.VMEM((_LB, 16), _f32),
        ],
    )
    def _interleave_sc(e0_hbm, e1_hbm, lines_hbm, f0_v, f1_v, o_v):
        wid = lax.axis_index("s") * _NC + lax.axis_index("c")
        base = wid * _LPW
        it = lax.iota(_i32, 16)

        def do_batch(l0, nl):
            ne = 8 * nl
            pltpu.sync_copy(e0_hbm.at[pl.ds(8 * l0, ne)],
                            f0_v.at[pl.ds(0, ne)])
            pltpu.sync_copy(e1_hbm.at[pl.ds(8 * l0, ne)],
                            f1_v.at[pl.ds(0, ne)])
            nv = -(-ne // 16)

            row_off = lax.shift_right_logical(it, 3)
            col0 = (it & 7) * 2

            def vbody(i, _):
                a = f0_v[pl.ds(i * 16, 16)]
                b = f1_v[pl.ds(i * 16, 16)]
                row = row_off + i * 2
                plsc.store_scatter(o_v, [row, col0], a)
                plsc.store_scatter(o_v, [row, col0 + 1], b)
                return 0

            lax.fori_loop(0, nv, vbody, 0)
            pltpu.sync_copy(o_v.at[pl.ds(0, nl)],
                            lines_hbm.at[pl.ds(l0, nl)])

        def bulk(bi, _):
            do_batch(base + bi * _LB, _LB)
            return 0

        lax.fori_loop(0, _NBULK, bulk, 0)
        do_batch(base + _NBULK * _LB, _LREM)

        @pl.when(wid == 0)
        def _():
            nz = 8 * _NTAIL
            def zbody(i, _):
                f0_v[pl.ds(i * 16, 16)] = jnp.zeros((16,), _f32)
                f1_v[pl.ds(i * 16, 16)] = jnp.zeros((16,), _f32)
                return 0
            lax.fori_loop(0, nz // 16, zbody, 0)
            nval = _V - 8 * _TAIL0
            pltpu.sync_copy(e0_hbm.at[pl.ds(8 * _TAIL0, nval)],
                            f0_v.at[pl.ds(0, nval)])
            pltpu.sync_copy(e1_hbm.at[pl.ds(8 * _TAIL0, nval)],
                            f1_v.at[pl.ds(0, nval)])

            row_off = lax.shift_right_logical(it, 3)
            col0 = (it & 7) * 2

            def vbody(i, _):
                a = f0_v[pl.ds(i * 16, 16)]
                b = f1_v[pl.ds(i * 16, 16)]
                row = row_off + i * 2
                plsc.store_scatter(o_v, [row, col0], a)
                plsc.store_scatter(o_v, [row, col0 + 1], b)
                return 0

            lax.fori_loop(0, nz // 16, vbody, 0)
            pltpu.sync_copy(o_v.at[pl.ds(0, _NTAIL)],
                            lines_hbm.at[pl.ds(_TAIL0, _NTAIL)])

    return _interleave_sc


@functools.cache
def _build_encode_sc():
    mesh = plsc.VectorSubcoreMesh(core_axis_name="c", subcore_axis_name="s")

    @functools.partial(
        pl.kernel,
        out_type=jax.ShapeDtypeStruct((_B, 2 * _N_LEVELS), _f32),
        mesh=mesh,
        compiler_params=pltpu.CompilerParams(needs_layout_passes=False,
                                             use_tc_tiling_on_sc=False),
        scratch_types=[
            pltpu.VMEM((3 * _N,), _f32),
            pltpu.VMEM((6 * 16,), _f32),
            pltpu.VMEM((16 * _N_LEVELS,), _f32),
            pltpu.VMEM((16 * _N_LEVELS,), _i32),
            pltpu.VMEM((3 * _N,), _f32),
            pltpu.VMEM((_N,), _f32),
            pltpu.VMEM((8 * _N,), _i32),
            pltpu.VMEM((8 * _N,), _i32),
            pltpu.VMEM((8 * _N,), _f32),
            pltpu.VMEM((8 * _N, 16), _f32),
            pltpu.VMEM((_N, 2 * _N_LEVELS), _f32),
            pltpu.SemaphoreType.DMA,
        ],
    )
    def _encode_sc(xyzt_hbm, emb_hbm, aux_hbm, res_hbm, off_hbm, out_hbm,
                   xyz_v, aux_v, res_v, off_v, xn_v, val_v, idx_v, elo_v,
                   w_v, lines_v, out_v, sem):
        wid = lax.axis_index("s") * _NC + lax.axis_index("c")
        base = wid * _PW
        pltpu.sync_copy(aux_hbm, aux_v)
        pltpu.sync_copy(res_hbm, res_v)
        pltpu.sync_copy(off_hbm, off_v)
        it = lax.iota(_i32, 16)
        p1v = jnp.full((16,), _P1, _i32)
        p2v = jnp.full((16,), _P2, _i32)
        mkv = jnp.full((16,), _MASK, _i32)

        def sub_body(si, _):
            b0 = base + si * _N
            for d in range(3):
                pltpu.sync_copy(xyzt_hbm.at[d, pl.ds(b0, _N)],
                                xyz_v.at[pl.ds(d * _N, _N)])

            def norm_body(vi, _):
                ok = None
                for d in range(3):
                    mn = aux_v[pl.ds(d * 16, 16)]
                    mx = aux_v[pl.ds((3 + d) * 16, 16)]
                    p = xyz_v[pl.ds(d * _N + vi * 16, 16)]
                    x = (p - mn) / (mx - mn)
                    okd = (x >= 0.0) & (x <= 1.0)
                    ok = okd if ok is None else (ok & okd)
                    xn_v[pl.ds(d * _N + vi * 16, 16)] = jnp.clip(x, 0.0, 1.0)
                val_v[pl.ds(vi * 16, 16)] = jnp.where(ok, 1.0, 0.0).astype(_f32)
                return 0

            lax.fori_loop(0, _NV, norm_body, 0)

            def level_body(ll, _):
                resf = res_v[pl.ds(ll * 16, 16)]
                offl = off_v[pl.ds(ll * 16, 16)]
                resi = resf.astype(_i32)
                rm1 = resi - 1
                r1 = resi + 1
                r1sq = r1 * r1
                is_dense = jnp.broadcast_to(ll, (16,)) < _N_DENSE

                def comp_body(vi, _):
                    px = xn_v[pl.ds(0 * _N + vi * 16, 16)] * resf
                    py = xn_v[pl.ds(1 * _N + vi * 16, 16)] * resf
                    pz = xn_v[pl.ds(2 * _N + vi * 16, 16)] * resf
                    x0 = jnp.minimum(px.astype(_i32), rm1)
                    y0 = jnp.minimum(py.astype(_i32), rm1)
                    z0 = jnp.minimum(pz.astype(_i32), rm1)
                    fx = jnp.clip(px - x0.astype(_f32), 0.0, 1.0)
                    fy = jnp.clip(py - y0.astype(_f32), 0.0, 1.0)
                    fz = jnp.clip(pz - z0.astype(_f32), 0.0, 1.0)
                    v = val_v[pl.ds(vi * 16, 16)]
                    wx = (1.0 - fx, fx)
                    wy = (1.0 - fy, fy)
                    wz = ((1.0 - fz) * v, fz * v)
                    hy0 = y0 * p1v
                    hz0 = z0 * p2v
                    hx = (x0, x0 + 1)
                    hy = (hy0, hy0 + p1v)
                    hz = (hz0, hz0 + p2v)
                    dx0 = x0 * r1sq
                    dy0 = y0 * r1
                    dx = (dx0, dx0 + r1sq)
                    dy = (dy0, dy0 + r1)
                    dz = (z0, z0 + 1)
                    for c in range(8):
                        cx, cy, cz = c & 1, (c >> 1) & 1, (c >> 2) & 1
                        h = (hx[cx] ^ hy[cy] ^ hz[cz]) & mkv
                        dn = dx[cx] + dy[cy] + dz[cz]
                        g = jnp.where(is_dense, dn, h) + offl
                        w = wx[cx] * wy[cy] * wz[cz]
                        o = c * _N + vi * 16
                        idx_v[pl.ds(o, 16)] = lax.shift_right_logical(g, 3)
                        elo_v[pl.ds(o, 16)] = (g & 7) * 2
                        w_v[pl.ds(o, 16)] = w
                    return 0

                lax.fori_loop(0, _NV, comp_body, 0)

                def fire_body(g, _):
                    pltpu.async_copy(
                        emb_hbm.at[idx_v.at[pl.ds(g * _GCH, _GCH)]],
                        lines_v.at[pl.ds(g * _GCH, _GCH)], sem)
                    return 0

                lax.fori_loop(0, _G, fire_body, 0)

                def drain_body(g, _):
                    pltpu.make_async_copy(
                        emb_hbm.at[idx_v.at[pl.ds(g * _GCH, _GCH)]],
                        lines_v.at[pl.ds(g * _GCH, _GCH)], sem).wait()
                    return 0

                lax.fori_loop(0, _G, drain_body, 0)

                col0 = jnp.broadcast_to(ll * 2, (16,))

                def acc_body(vi, _):
                    acc0 = jnp.zeros((16,), _f32)
                    acc1 = jnp.zeros((16,), _f32)
                    for c in range(8):
                        o = c * _N + vi * 16
                        w = w_v[pl.ds(o, 16)]
                        e0 = elo_v[pl.ds(o, 16)]
                        jvec = it + o
                        r0 = plsc.load_gather(lines_v, [jvec, e0])
                        r1_ = plsc.load_gather(lines_v, [jvec, e0 + 1])
                        acc0 = acc0 + w * r0
                        acc1 = acc1 + w * r1_
                    pidx = it + vi * 16
                    plsc.store_scatter(out_v, [pidx, col0], acc0)
                    plsc.store_scatter(out_v, [pidx, col0 + 1], acc1)
                    return 0

                lax.fori_loop(0, _NV, acc_body, 0)
                return 0

            lax.fori_loop(0, _N_LEVELS, level_body, 0)
            pltpu.sync_copy(out_v, out_hbm.at[pl.ds(b0, _N)])
            return 0

        lax.fori_loop(0, _NSUB, sub_body, 0)

    return _encode_sc


def kernel(xyz, embeddings, min_xyz, max_xyz):
    emb = embeddings.astype(_f32)
    emb_lines = _build_interleave()(emb[:, 0], emb[:, 1])
    xyzt = xyz.astype(_f32).T
    aux = jnp.concatenate([min_xyz.astype(_f32), max_xyz.astype(_f32)])
    auxb = jnp.broadcast_to(aux[:, None], (6, 16)).reshape(-1)
    resb = jnp.broadcast_to(jnp.array(_RES, _f32)[:, None],
                            (_N_LEVELS, 16)).reshape(-1)
    offb = jnp.broadcast_to(jnp.array(_OFFS[:_N_LEVELS], _i32)[:, None],
                            (_N_LEVELS, 16)).reshape(-1)
    return _build_encode_sc()(xyzt, emb_lines, auxb, resb, offb)

# --- scband reference (transcript-rebuilt; emitter-appended) ---
"""Pipeline reference for scband-hash-grid-encode-1614907703695 (READ-ONLY COPY).

The authoritative reference and input builder live on the scoring server;
editing this copy changes nothing except your own understanding.
"""

import jax, jax.numpy as jnp
import numpy as np

N_LEVELS = 16
N_FEAT = 2
OFFSETS = [0, 4913, 17080, 46871, 126378, 331757, 856045, 1380333, 1904621, 2428909, 2953197, 3477485, 4001773, 4526061, 5050349, 5574637, 6098925]
RESOLUTIONS = [16, 22, 30, 42, 58, 80, 111, 154, 212, 294, 406, 561, 776, 1072, 1482, 2048]
PRIMES = (1, 2654435761, 805459861)


def setup_inputs(seed: int = 0) -> dict:
    key = jax.random.key(seed)
    k1, k2 = jax.random.split(key)
    xyz = jax.random.uniform(k1, (131072, 3), dtype=jnp.float32)
    embeddings = jax.random.normal(k2, (OFFSETS[-1], N_FEAT), dtype=jnp.float32)
    min_xyz = jnp.zeros((3,), dtype=jnp.float32)
    max_xyz = jnp.ones((3,), dtype=jnp.float32)
    return {"xyz": xyz, "embeddings": embeddings, "min_xyz": min_xyz, "max_xyz": max_xyz}


def _encode(xyz, embeddings, min_xyz, max_xyz):
    # normalize to [0,1]
    x = (xyz - min_xyz[None, :]) / (max_xyz[None, :] - min_xyz[None, :])
    valid = jnp.all((x >= 0.0) & (x <= 1.0), axis=-1)
    x = jnp.clip(x, 0.0, 1.0)
    primes = jnp.array(PRIMES, dtype=jnp.uint32)
    outs = []
    for l in range(N_LEVELS):
        res = RESOLUTIONS[l]
        size = OFFSETS[l + 1] - OFFSETS[l]
        pos = x * res
        pos0 = jnp.clip(jnp.floor(pos).astype(jnp.int32), 0, res - 1)
        frac = jnp.clip(pos - pos0.astype(x.dtype), 0.0, 1.0)
        feat = jnp.zeros((x.shape[0], N_FEAT), dtype=x.dtype)
        dense = (res + 1) ** 3 <= size
        for corner in range(8):
            offs = jnp.array([(corner >> d) & 1 for d in range(3)], dtype=jnp.int32)
            c = pos0 + offs[None, :]
            if dense:
                idx = (c[:, 0] * (res + 1) + c[:, 1]) * (res + 1) + c[:, 2]
            else:
                cu = c.astype(jnp.uint32)
                h = (cu[:, 0] * primes[0]) ^ (cu[:, 1] * primes[1]) ^ (cu[:, 2] * primes[2])
                idx = (h % jnp.uint32(size)).astype(jnp.int32)
            w = jnp.prod(jnp.where(offs[None, :] == 1, frac, 1.0 - frac), axis=-1)
            feat = feat + w[:, None] * jnp.take(embeddings, OFFSETS[l] + idx, axis=0)
        outs.append(feat)
    out = jnp.concatenate(outs, axis=-1)
    out = out * valid[:, None].astype(out.dtype)
    return out


def reference(xyz, embeddings, min_xyz, max_xyz):
    return _encode(xyz, embeddings, min_xyz, max_xyz)

if __name__ == "__main__":
    import jax
    _d = setup_inputs()
    print(jax.jit(kernel)(*tuple(_d.values())))

</pallas_src>

<mosaic_0001>
#map = affine_map<(d0, d1) -> (0)>
#map1 = affine_map<(d0, d1) -> (0, 0)>
module attributes {stable_mosaic.version = 14 : i64} {
  func.func @_interleave_sc(%arg0: i32, %arg1: i32, %arg2: memref<6098925xf32, #tpu.memory_space<hbm>>, %arg3: memref<6098925xf32, #tpu.memory_space<hbm>>, %arg4: memref<762366x16xf32, #tpu.memory_space<hbm>>, %arg5: memref<8192xf32, #tpu.memory_space<vmem>>, %arg6: memref<8192xf32, #tpu.memory_space<vmem>>, %arg7: memref<1024x16xf32, #tpu.memory_space<vmem>>) attributes {dimension_semantics = [#tpu.dimension_semantics<core_parallel>, #tpu.dimension_semantics<subcore_parallel>], iteration_bounds = array<i64: 2, 16>, scalar_prefetch = 0 : i64, scratch_operands = 3 : i64, tpu.core_type = #tpu.core_type<sc_vector_subcore>, window_params = [{transform_indices = #map}, {transform_indices = #map}, {transform_indices = #map1}]} {
    %mul3A = arith.constant 2 : i32
    %mul3A_0 = arith.muli %arg1, %mul3A : i32
    %add3A = arith.addi %mul3A_0, %arg0 : i32
    %mul3A_1 = arith.constant 23823 : i32
    %mul3A_2 = arith.muli %add3A, %mul3A_1 : i32
    %iota3A = tpu.iota {dimensions = array<i32: 0>} : vector<16xi32>
    %scan3A = arith.constant 0 : i32
    %scan3A_3 = arith.constant 0 : i32
    %scan3A_4 = arith.constant 23 : i32
    %scan3A_5 = arith.addi %scan3A_3, %scan3A_4 : i32
    %scan3A_6 = arith.constant 1 : i32
    %scan3A_7 = scf.for %scan3A_31 = %scan3A_3 to %scan3A_5 step %scan3A_6 iter_args(%scan3A_32 = %scan3A) -> (i32)  : i32 {
      %mul3A_33 = arith.constant 1024 : i32
      %mul3A_34 = arith.muli %scan3A_31, %mul3A_33 : i32
      %add3A_35 = arith.addi %mul3A_2, %mul3A_34 : i32
      %mul3A_36 = arith.constant 8 : i32
      %mul3A_37 = arith.muli %mul3A_36, %add3A_35 : i32
      "tpu.region"() ({
        %run_scoped3A = tpu.sem_alloc : memref<!tpu.dma_semaphore, #tpu.memory_space<semaphore_mem>>
        %dma_start3A = arith.constant 0 : i32
        %dma_start3A_57 = tpu.memref_slice %arg5[%dma_start3A] : memref<8192xf32, #tpu.memory_space<vmem>> -> memref<8192xf32, #tpu.memory_space<vmem>>
        %dma_start3A_58 = tpu.memref_slice %arg2[%mul3A_37] : memref<6098925xf32, #tpu.memory_space<hbm>> -> memref<8192xf32, #tpu.memory_space<hbm>>
        %dma_start3A_59 = arith.constant 0 : i32
        %dma_start3A_60 = tpu.memref_slice %arg5[%dma_start3A_59] : memref<8192xf32, #tpu.memory_space<vmem>> -> memref<8192xf32, #tpu.memory_space<vmem>>
        %dma_start3A_61 = tpu.memref_slice %arg2[%mul3A_37] : memref<6098925xf32, #tpu.memory_space<hbm>> -> memref<8192xf32, #tpu.memory_space<hbm>>
        tpu.enqueue_dma source(%dma_start3A_61 : memref<8192xf32, #tpu.memory_space<hbm>>) target(%dma_start3A_60 : memref<8192xf32, #tpu.memory_space<vmem>>) target_semaphore(%run_scoped3A : memref<!tpu.dma_semaphore, #tpu.memory_space<semaphore_mem>>)
        %dma_wait3A = arith.constant 0 : i32
        %dma_wait3A_62 = tpu.memref_slice %arg5[%dma_wait3A] : memref<8192xf32, #tpu.memory_space<vmem>> -> memref<8192xf32, #tpu.memory_space<vmem>>
        %dma_wait3A_63 = tpu.memref_slice %arg2[%mul3A_37] : memref<6098925xf32, #tpu.memory_space<hbm>> -> memref<8192xf32, #tpu.memory_space<hbm>>
        %dma_wait3A_64 = arith.constant 0 : i32
        %dma_wait3A_65 = tpu.memref_slice %arg5[%dma_wait3A_64] : memref<8192xf32, #tpu.memory_space<vmem>> -> memref<8192xf32, #tpu.memory_space<vmem>>
        %dma_wait3A_66 = tpu.memref_slice %arg2[%mul3A_37] : memref<6098925xf32, #tpu.memory_space<hbm>> -> memref<8192xf32, #tpu.memory_space<hbm>>
        tpu.wait_dma2 semaphore(%run_scoped3A : memref<!tpu.dma_semaphore, #tpu.memory_space<semaphore_mem>>) src(%dma_wait3A_66 : memref<8192xf32, #tpu.memory_space<hbm>>) dst(%dma_wait3A_65 : memref<8192xf32, #tpu.memory_space<vmem>>)
        tpu.yield
      }) : () -> ()
      %mul3A_38 = arith.constant 8 : i32
      %mul3A_39 = arith.muli %mul3A_38, %add3A_35 : i32
      "tpu.region"() ({
        %run_scoped3A = tpu.sem_alloc : memref<!tpu.dma_semaphore, #tpu.memory_space<semaphore_mem>>
        %dma_start3A = arith.constant 0 : i32
        %dma_start3A_57 = tpu.memref_slice %arg6[%dma_start3A] : memref<8192xf32, #tpu.memory_space<vmem>> -> memref<8192xf32, #tpu.memory_space<vmem>>
        %dma_start3A_58 = tpu.memref_slice %arg3[%mul3A_39] : memref<6098925xf32, #tpu.memory_space<hbm>> -> memref<8192xf32, #tpu.memory_space<hbm>>
        %dma_start3A_59 = arith.constant 0 : i32
        %dma_start3A_60 = tpu.memref_slice %arg6[%dma_start3A_59] : memref<8192xf32, #tpu.memory_space<vmem>> -> memref<8192xf32, #tpu.memory_space<vmem>>
        %dma_start3A_61 = tpu.memref_slice %arg3[%mul3A_39] : memref<6098925xf32, #tpu.memory_space<hbm>> -> memref<8192xf32, #tpu.memory_space<hbm>>
        tpu.enqueue_dma source(%dma_start3A_61 : memref<8192xf32, #tpu.memory_space<hbm>>) target(%dma_start3A_60 : memref<8192xf32, #tpu.memory_space<vmem>>) target_semaphore(%run_scoped3A : memref<!tpu.dma_semaphore, #tpu.memory_space<semaphore_mem>>)
        %dma_wait3A = arith.constant 0 : i32
        %dma_wait3A_62 = tpu.memref_slice %arg6[%dma_wait3A] : memref<8192xf32, #tpu.memory_space<vmem>> -> memref<8192xf32, #tpu.memory_space<vmem>>
        %dma_wait3A_63 = tpu.memref_slice %arg3[%mul3A_39] : memref<6098925xf32, #tpu.memory_space<hbm>> -> memref<8192xf32, #tpu.memory_space<hbm>>
        %dma_wait3A_64 = arith.constant 0 : i32
        %dma_wait3A_65 = tpu.memref_slice %arg6[%dma_wait3A_64] : memref<8192xf32, #tpu.memory_space<vmem>> -> memref<8192xf32, #tpu.memory_space<vmem>>
        %dma_wait3A_66 = tpu.memref_slice %arg3[%mul3A_39] : memref<6098925xf32, #tpu.memory_space<hbm>> -> memref<8192xf32, #tpu.memory_space<hbm>>
        tpu.wait_dma2 semaphore(%run_scoped3A : memref<!tpu.dma_semaphore, #tpu.memory_space<semaphore_mem>>) src(%dma_wait3A_66 : memref<8192xf32, #tpu.memory_space<hbm>>) dst(%dma_wait3A_65 : memref<8192xf32, #tpu.memory_space<vmem>>)
        tpu.yield
      }) : () -> ()
      %shift_right_logical3A_40 = arith.constant 3 : i32
      %shift_right_logical3A_41 = vector.broadcast %shift_right_logical3A_40 : i32 to vector<16xi32>
      %shift_right_logical3A_42 = arith.shrui %iota3A, %shift_right_logical3A_41 : vector<16xi32>
      %and3A_43 = arith.constant 7 : i32
      %and3A_44 = vector.broadcast %and3A_43 : i32 to vector<16xi32>
      %and3A_45 = arith.andi %iota3A, %and3A_44 : vector<16xi32>
      %mul3A_46 = arith.constant 2 : i32
      %mul3A_47 = vector.broadcast %mul3A_46 : i32 to vector<16xi32>
      %mul3A_48 = arith.muli %and3A_45, %mul3A_47 : vector<16xi32>
      %scan3A_49 = arith.constant 0 : i32
      %scan3A_50 = arith.constant 0 : i32
      %scan3A_51 = arith.constant 512 : i32
      %scan3A_52 = arith.addi %scan3A_50, %scan3A_51 : i32
      %scan3A_53 = arith.constant 1 : i32
      %scan3A_54 = scf.for %scan3A_57 = %scan3A_50 to %scan3A_52 step %scan3A_53 iter_args(%scan3A_58 = %scan3A_49) -> (i32)  : i32 {
        %mul3A_59 = arith.constant 16 : i32
        %mul3A_60 = arith.muli %scan3A_57, %mul3A_59 : i32
        %get3A = arith.index_cast %mul3A_60 : i32 to index
        %get3A_61 = tpu.vector_load %arg5[%get3A] {strides = array<i32>} : memref<8192xf32, #tpu.memory_space<vmem>>, vector<16xf32>,
        %mul3A_62 = arith.constant 16 : i32
        %mul3A_63 = arith.muli %scan3A_57, %mul3A_62 : i32
        %get3A_64 = arith.index_cast %mul3A_63 : i32 to index
        %get3A_65 = tpu.vector_load %arg6[%get3A_64] {strides = array<i32>} : memref<8192xf32, #tpu.memory_space<vmem>>, vector<16xf32>,
        %mul3A_66 = arith.constant 2 : i32
        %mul3A_67 = arith.muli %scan3A_57, %mul3A_66 : i32
        %add3A_68 = vector.broadcast %mul3A_67 : i32 to vector<16xi32>
        %add3A_69 = arith.addi %shift_right_logical3A_42, %add3A_68 : vector<16xi32>
        tpu.vector_store_idx %arg7[%add3A_69, %mul3A_48], %get3A_61 : memref<1024x16xf32, #tpu.memory_space<vmem>>[vector<16xi32>, vector<16xi32>], vector<16xf32>,
        %add3A_70 = arith.constant 1 : i32
        %add3A_71 = vector.broadcast %add3A_70 : i32 to vector<16xi32>
        %add3A_72 = arith.addi %mul3A_48, %add3A_71 : vector<16xi32>
        tpu.vector_store_idx %arg7[%add3A_69, %add3A_72], %get3A_65 : memref<1024x16xf32, #tpu.memory_space<vmem>>[vector<16xi32>, vector<16xi32>], vector<16xf32>,
        %scan3A_73 = arith.constant 0 : i32
        scf.yield %scan3A_73 : i32
      }
      %scan3A_55 = arith.constant 512 : i32
      "tpu.region"() ({
        %run_scoped3A = tpu.sem_alloc : memref<!tpu.dma_semaphore, #tpu.memory_space<semaphore_mem>>
        %dma_start3A = arith.constant 0 : i32
        %dma_start3A_57 = arith.constant 0 : i32
        %dma_start3A_58 = tpu.memref_slice %arg7[%dma_start3A, %dma_start3A_57] : memref<1024x16xf32, #tpu.memory_space<vmem>> -> memref<1024x16xf32, #tpu.memory_space<vmem>>
        %dma_start3A_59 = arith.constant 0 : i32
        %dma_start3A_60 = tpu.memref_slice %arg4[%add3A_35, %dma_start3A_59] : memref<762366x16xf32, #tpu.memory_space<hbm>> -> memref<1024x16xf32, #tpu.memory_space<hbm>>
        %dma_start3A_61 = arith.constant 0 : i32
        %dma_start3A_62 = tpu.memref_slice %arg4[%add3A_35, %dma_start3A_61] : memref<762366x16xf32, #tpu.memory_space<hbm>> -> memref<1024x16xf32, #tpu.memory_space<hbm>>
        %dma_start3A_63 = arith.constant 0 : i32
        %dma_start3A_64 = arith.constant 0 : i32
        %dma_start3A_65 = tpu.memref_slice %arg7[%dma_start3A_63, %dma_start3A_64] : memref<1024x16xf32, #tpu.memory_space<vmem>> -> memref<1024x16xf32, #tpu.memory_space<vmem>>
        tpu.enqueue_dma source(%dma_start3A_65 : memref<1024x16xf32, #tpu.memory_space<vmem>>) target(%dma_start3A_62 : memref<1024x16xf32, #tpu.memory_space<hbm>>) target_semaphore(%run_scoped3A : memref<!tpu.dma_semaphore, #tpu.memory_space<semaphore_mem>>)
        %dma_wait3A = arith.constant 0 : i32
        %dma_wait3A_66 = arith.constant 0 : i32
        %dma_wait3A_67 = tpu.memref_slice %arg7[%dma_wait3A, %dma_wait3A_66] : memref<1024x16xf32, #tpu.memory_space<vmem>> -> memref<1024x16xf32, #tpu.memory_space<vmem>>
        %dma_wait3A_68 = arith.constant 0 : i32
        %dma_wait3A_69 = tpu.memref_slice %arg4[%add3A_35, %dma_wait3A_68] : memref<762366x16xf32, #tpu.memory_space<hbm>> -> memref<1024x16xf32, #tpu.memory_space<hbm>>
        %dma_wait3A_70 = arith.constant 0 : i32
        %dma_wait3A_71 = tpu.memref_slice %arg4[%add3A_35, %dma_wait3A_70] : memref<762366x16xf32, #tpu.memory_space<hbm>> -> memref<1024x16xf32, #tpu.memory_space<hbm>>
        %dma_wait3A_72 = arith.constant 0 : i32
        %dma_wait3A_73 = arith.constant 0 : i32
        %dma_wait3A_74 = tpu.memref_slice %arg7[%dma_wait3A_72, %dma_wait3A_73] : memref<1024x16xf32, #tpu.memory_space<vmem>> -> memref<1024x16xf32, #tpu.memory_space<vmem>>
        tpu.wait_dma2 semaphore(%run_scoped3A : memref<!tpu.dma_semaphore, #tpu.memory_space<semaphore_mem>>) src(%dma_wait3A_74 : memref<1024x16xf32, #tpu.memory_space<vmem>>) dst(%dma_wait3A_71 : memref<1024x16xf32, #tpu.memory_space<hbm>>)
        tpu.yield
      }) : () -> ()
      %scan3A_56 = arith.constant 0 : i32
      scf.yield %scan3A_56 : i32
    }
    %scan3A_8 = arith.constant 23 : i32
    %add3A_9 = arith.constant 23552 : i32
    %add3A_10 = arith.addi %mul3A_2, %add3A_9 : i32
    %mul3A_11 = arith.constant 8 : i32
    %mul3A_12 = arith.muli %mul3A_11, %add3A_10 : i32
    "tpu.region"() ({
      %run_scoped3A = tpu.sem_alloc : memref<!tpu.dma_semaphore, #tpu.memory_space<semaphore_mem>>
      %dma_start3A = arith.constant 0 : i32
      %dma_start3A_31 = tpu.memref_slice %arg5[%dma_start3A] : memref<8192xf32, #tpu.memory_space<vmem>> -> memref<2168xf32, #tpu.memory_space<vmem>>
      %dma_start3A_32 = tpu.memref_slice %arg2[%mul3A_12] : memref<6098925xf32, #tpu.memory_space<hbm>> -> memref<2168xf32, #tpu.memory_space<hbm>>
      %dma_start3A_33 = arith.constant 0 : i32
      %dma_start3A_34 = tpu.memref_slice %arg5[%dma_start3A_33] : memref<8192xf32, #tpu.memory_space<vmem>> -> memref<2168xf32, #tpu.memory_space<vmem>>
      %dma_start3A_35 = tpu.memref_slice %arg2[%mul3A_12] : memref<6098925xf32, #tpu.memory_space<hbm>> -> memref<2168xf32, #tpu.memory_space<hbm>>
      tpu.enqueue_dma source(%dma_start3A_35 : memref<2168xf32, #tpu.memory_space<hbm>>) target(%dma_start3A_34 : memref<2168xf32, #tpu.memory_space<vmem>>) target_semaphore(%run_scoped3A : memref<!tpu.dma_semaphore, #tpu.memory_space<semaphore_mem>>)
      %dma_wait3A = arith.constant 0 : i32
      %dma_wait3A_36 = tpu.memref_slice %arg5[%dma_wait3A] : memref<8192xf32, #tpu.memory_space<vmem>> -> memref<2168xf32, #tpu.memory_space<vmem>>
      %dma_wait3A_37 = tpu.memref_slice %arg2[%mul3A_12] : memref<6098925xf32, #tpu.memory_space<hbm>> -> memref<2168xf32, #tpu.memory_space<hbm>>
      %dma_wait3A_38 = arith.constant 0 : i32
      %dma_wait3A_39 = tpu.memref_slice %arg5[%dma_wait3A_38] : memref<8192xf32, #tpu.memory_space<vmem>> -> memref<2168xf32, #tpu.memory_space<vmem>>
      %dma_wait3A_40 = tpu.memref_slice %arg2[%mul3A_12] : memref<6098925xf32, #tpu.memory_space<hbm>> -> memref<2168xf32, #tpu.memory_space<hbm>>
      tpu.wait_dma2 semaphore(%run_scoped3A : memref<!tpu.dma_semaphore, #tpu.memory_space<semaphore_mem>>) src(%dma_wait3A_40 : memref<2168xf32, #tpu.memory_space<hbm>>) dst(%dma_wait3A_39 : memref<2168xf32, #tpu.memory_space<vmem>>)
      tpu.yield
    }) : () -> ()
    %mul3A_13 = arith.constant 8 : i32
    %mul3A_14 = arith.muli %mul3A_13, %add3A_10 : i32
    "tpu.region"() ({
      %run_scoped3A = tpu.sem_alloc : memref<!tpu.dma_semaphore, #tpu.memory_space<semaphore_mem>>
      %dma_start3A = arith.constant 0 : i32
      %dma_start3A_31 = tpu.memref_slice %arg6[%dma_start3A] : memref<8192xf32, #tpu.memory_space<vmem>> -> memref<2168xf32, #tpu.memory_space<vmem>>
      %dma_start3A_32 = tpu.memref_slice %arg3[%mul3A_14] : memref<6098925xf32, #tpu.memory_space<hbm>> -> memref<2168xf32, #tpu.memory_space<hbm>>
      %dma_start3A_33 = arith.constant 0 : i32
      %dma_start3A_34 = tpu.memref_slice %arg6[%dma_start3A_33] : memref<8192xf32, #tpu.memory_space<vmem>> -> memref<2168xf32, #tpu.memory_space<vmem>>
      %dma_start3A_35 = tpu.memref_slice %arg3[%mul3A_14] : memref<6098925xf32, #tpu.memory_space<hbm>> -> memref<2168xf32, #tpu.memory_space<hbm>>
      tpu.enqueue_dma source(%dma_start3A_35 : memref<2168xf32, #tpu.memory_space<hbm>>) target(%dma_start3A_34 : memref<2168xf32, #tpu.memory_space<vmem>>) target_semaphore(%run_scoped3A : memref<!tpu.dma_semaphore, #tpu.memory_space<semaphore_mem>>)
      %dma_wait3A = arith.constant 0 : i32
      %dma_wait3A_36 = tpu.memref_slice %arg6[%dma_wait3A] : memref<8192xf32, #tpu.memory_space<vmem>> -> memref<2168xf32, #tpu.memory_space<vmem>>
      %dma_wait3A_37 = tpu.memref_slice %arg3[%mul3A_14] : memref<6098925xf32, #tpu.memory_space<hbm>> -> memref<2168xf32, #tpu.memory_space<hbm>>
      %dma_wait3A_38 = arith.constant 0 : i32
      %dma_wait3A_39 = tpu.memref_slice %arg6[%dma_wait3A_38] : memref<8192xf32, #tpu.memory_space<vmem>> -> memref<2168xf32, #tpu.memory_space<vmem>>
      %dma_wait3A_40 = tpu.memref_slice %arg3[%mul3A_14] : memref<6098925xf32, #tpu.memory_space<hbm>> -> memref<2168xf32, #tpu.memory_space<hbm>>
      tpu.wait_dma2 semaphore(%run_scoped3A : memref<!tpu.dma_semaphore, #tpu.memory_space<semaphore_mem>>) src(%dma_wait3A_40 : memref<2168xf32, #tpu.memory_space<hbm>>) dst(%dma_wait3A_39 : memref<2168xf32, #tpu.memory_space<vmem>>)
      tpu.yield
    }) : () -> ()
    %shift_right_logical3A = arith.constant 3 : i32
    %shift_right_logical3A_15 = vector.broadcast %shift_right_logical3A : i32 to vector<16xi32>
    %shift_right_logical3A_16 = arith.shrui %iota3A, %shift_right_logical3A_15 : vector<16xi32>
    %and3A = arith.constant 7 : i32
    %and3A_17 = vector.broadcast %and3A : i32 to vector<16xi32>
    %and3A_18 = arith.andi %iota3A, %and3A_17 : vector<16xi32>
    %mul3A_19 = arith.constant 2 : i32
    %mul3A_20 = vector.broadcast %mul3A_19 : i32 to vector<16xi32>
    %mul3A_21 = arith.muli %and3A_18, %mul3A_20 : vector<16xi32>
    %scan3A_22 = arith.constant 0 : i32
    %scan3A_23 = arith.constant 0 : i32
    %scan3A_24 = arith.constant 136 : i32
    %scan3A_25 = arith.addi %scan3A_23, %scan3A_24 : i32
    %scan3A_26 = arith.constant 1 : i32
    %scan3A_27 = scf.for %scan3A_31 = %scan3A_23 to %scan3A_25 step %scan3A_26 iter_args(%scan3A_32 = %scan3A_22) -> (i32)  : i32 {
      %mul3A_33 = arith.constant 16 : i32
      %mul3A_34 = arith.muli %scan3A_31, %mul3A_33 : i32
      %get3A = arith.index_cast %mul3A_34 : i32 to index
      %get3A_35 = tpu.vector_load %arg5[%get3A] {strides = array<i32>} : memref<8192xf32, #tpu.memory_space<vmem>>, vector<16xf32>,
      %mul3A_36 = arith.constant 16 : i32
      %mul3A_37 = arith.muli %scan3A_31, %mul3A_36 : i32
      %get3A_38 = arith.index_cast %mul3A_37 : i32 to index
      %get3A_39 = tpu.vector_load %arg6[%get3A_38] {strides = array<i32>} : memref<8192xf32, #tpu.memory_space<vmem>>, vector<16xf32>,
      %mul3A_40 = arith.constant 2 : i32
      %mul3A_41 = arith.muli %scan3A_31, %mul3A_40 : i32
      %add3A_42 = vector.broadcast %mul3A_41 : i32 to vector<16xi32>
      %add3A_43 = arith.addi %shift_right_logical3A_16, %add3A_42 : vector<16xi32>
      tpu.vector_store_idx %arg7[%add3A_43, %mul3A_21], %get3A_35 : memref<1024x16xf32, #tpu.memory_space<vmem>>[vector<16xi32>, vector<16xi32>], vector<16xf32>,
      %add3A_44 = arith.constant 1 : i32
      %add3A_45 = vector.broadcast %add3A_44 : i32 to vector<16xi32>
      %add3A_46 = arith.addi %mul3A_21, %add3A_45 : vector<16xi32>
      tpu.vector_store_idx %arg7[%add3A_43, %add3A_46], %get3A_39 : memref<1024x16xf32, #tpu.memory_space<vmem>>[vector<16xi32>, vector<16xi32>], vector<16xf32>,
      %scan3A_47 = arith.constant 0 : i32
      scf.yield %scan3A_47 : i32
    }
    %scan3A_28 = arith.constant 136 : i32
    "tpu.region"() ({
      %run_scoped3A = tpu.sem_alloc : memref<!tpu.dma_semaphore, #tpu.memory_space<semaphore_mem>>
      %dma_start3A = arith.constant 0 : i32
      %dma_start3A_31 = arith.constant 0 : i32
      %dma_start3A_32 = tpu.memref_slice %arg7[%dma_start3A, %dma_start3A_31] : memref<1024x16xf32, #tpu.memory_space<vmem>> -> memref<271x16xf32, #tpu.memory_space<vmem>>
      %dma_start3A_33 = arith.constant 0 : i32
      %dma_start3A_34 = tpu.memref_slice %arg4[%add3A_10, %dma_start3A_33] : memref<762366x16xf32, #tpu.memory_space<hbm>> -> memref<271x16xf32, #tpu.memory_space<hbm>>
      %dma_start3A_35 = arith.constant 0 : i32
      %dma_start3A_36 = tpu.memref_slice %arg4[%add3A_10, %dma_start3A_35] : memref<762366x16xf32, #tpu.memory_space<hbm>> -> memref<271x16xf32, #tpu.memory_space<hbm>>
      %dma_start3A_37 = arith.constant 0 : i32
      %dma_start3A_38 = arith.constant 0 : i32
      %dma_start3A_39 = tpu.memref_slice %arg7[%dma_start3A_37, %dma_start3A_38] : memref<1024x16xf32, #tpu.memory_space<vmem>> -> memref<271x16xf32, #tpu.memory_space<vmem>>
      tpu.enqueue_dma source(%dma_start3A_39 : memref<271x16xf32, #tpu.memory_space<vmem>>) target(%dma_start3A_36 : memref<271x16xf32, #tpu.memory_space<hbm>>) target_semaphore(%run_scoped3A : memref<!tpu.dma_semaphore, #tpu.memory_space<semaphore_mem>>)
      %dma_wait3A = arith.constant 0 : i32
      %dma_wait3A_40 = arith.constant 0 : i32
      %dma_wait3A_41 = tpu.memref_slice %arg7[%dma_wait3A, %dma_wait3A_40] : memref<1024x16xf32, #tpu.memory_space<vmem>> -> memref<271x16xf32, #tpu.memory_space<vmem>>
      %dma_wait3A_42 = arith.constant 0 : i32
      %dma_wait3A_43 = tpu.memref_slice %arg4[%add3A_10, %dma_wait3A_42] : memref<762366x16xf32, #tpu.memory_space<hbm>> -> memref<271x16xf32, #tpu.memory_space<hbm>>
      %dma_wait3A_44 = arith.constant 0 : i32
      %dma_wait3A_45 = tpu.memref_slice %arg4[%add3A_10, %dma_wait3A_44] : memref<762366x16xf32, #tpu.memory_space<hbm>> -> memref<271x16xf32, #tpu.memory_space<hbm>>
      %dma_wait3A_46 = arith.constant 0 : i32
      %dma_wait3A_47 = arith.constant 0 : i32
      %dma_wait3A_48 = tpu.memref_slice %arg7[%dma_wait3A_46, %dma_wait3A_47] : memref<1024x16xf32, #tpu.memory_space<vmem>> -> memref<271x16xf32, #tpu.memory_space<vmem>>
      tpu.wait_dma2 semaphore(%run_scoped3A : memref<!tpu.dma_semaphore, #tpu.memory_space<semaphore_mem>>) src(%dma_wait3A_48 : memref<271x16xf32, #tpu.memory_space<vmem>>) dst(%dma_wait3A_45 : memref<271x16xf32, #tpu.memory_space<hbm>>)
      tpu.yield
    }) : () -> ()
    %eq3A = arith.constant 0 : i32
    %eq3A_29 = arith.cmpi eq, %add3A, %eq3A : i32
    %convert_element_type3A = arith.extui %eq3A_29 : i1 to i32
    %cond3A = arith.constant 0 : i32
    %cond3A_30 = arith.cmpi ne, %convert_element_type3A, %cond3A : i32
    scf.if %cond3A_30 {
      %scan3A_31 = arith.constant 0 : i32
      %scan3A_32 = arith.constant 0 : i32
      %scan3A_33 = arith.constant 15 : i32
      %scan3A_34 = arith.addi %scan3A_32, %scan3A_33 : i32
      %scan3A_35 = arith.constant 1 : i32
      %scan3A_36 = scf.for %scan3A_54 = %scan3A_32 to %scan3A_34 step %scan3A_35 iter_args(%scan3A_55 = %scan3A_31) -> (i32)  : i32 {
        %broadcast_in_dim3A = arith.constant 0.000000e+00 : f32
        %broadcast_in_dim3A_56 = vector.broadcast %broadcast_in_dim3A : f32 to vector<16xf32>
        %mul3A_57 = arith.constant 16 : i32
        %mul3A_58 = arith.muli %scan3A_54, %mul3A_57 : i32
        %swap3A = arith.index_cast %mul3A_58 : i32 to index
        %swap3A_59 = tpu.vector_load %arg5[%swap3A] {strides = array<i32>} : memref<8192xf32, #tpu.memory_space<vmem>>, vector<16xf32>,
        tpu.vector_store %arg5[%swap3A], %broadcast_in_dim3A_56 {strides = array<i32>} : memref<8192xf32, #tpu.memory_space<vmem>>, vector<16xf32>,
        %broadcast_in_dim3A_60 = arith.constant 0.000000e+00 : f32
        %broadcast_in_dim3A_61 = vector.broadcast %broadcast_in_dim3A_60 : f32 to vector<16xf32>
        %mul3A_62 = arith.constant 16 : i32
        %mul3A_63 = arith.muli %scan3A_54, %mul3A_62 : i32
        %swap3A_64 = arith.index_cast %mul3A_63 : i32 to index
        %swap3A_65 = tpu.vector_load %arg6[%swap3A_64] {strides = array<i32>} : memref<8192xf32, #tpu.memory_space<vmem>>, vector<16xf32>,
        tpu.vector_store %arg6[%swap3A_64], %broadcast_in_dim3A_61 {strides = array<i32>} : memref<8192xf32, #tpu.memory_space<vmem>>, vector<16xf32>,
        %scan3A_66 = arith.constant 0 : i32
        scf.yield %scan3A_66 : i32
      }
      %scan3A_37 = arith.constant 15 : i32
      "tpu.region"() ({
        %run_scoped3A = tpu.sem_alloc : memref<!tpu.dma_semaphore, #tpu.memory_space<semaphore_mem>>
        %dma_start3A = arith.constant 0 : i32
        %dma_start3A_54 = tpu.memref_slice %arg5[%dma_start3A] : memref<8192xf32, #tpu.memory_space<vmem>> -> memref<237xf32, #tpu.memory_space<vmem>>
        %dma_start3A_55 = arith.constant 6098688 : i32
        %dma_start3A_56 = tpu.memref_slice %arg2[%dma_start3A_55] : memref<6098925xf32, #tpu.memory_space<hbm>> -> memref<237xf32, #tpu.memory_space<hbm>>
        %dma_start3A_57 = arith.constant 0 : i32
        %dma_start3A_58 = tpu.memref_slice %arg5[%dma_start3A_57] : memref<8192xf32, #tpu.memory_space<vmem>> -> memref<237xf32, #tpu.memory_space<vmem>>
        %dma_start3A_59 = arith.constant 6098688 : i32
        %dma_start3A_60 = tpu.memref_slice %arg2[%dma_start3A_59] : memref<6098925xf32, #tpu.memory_space<hbm>> -> memref<237xf32, #tpu.memory_space<hbm>>
        tpu.enqueue_dma source(%dma_start3A_60 : memref<237xf32, #tpu.memory_space<hbm>>) target(%dma_start3A_58 : memref<237xf32, #tpu.memory_space<vmem>>) target_semaphore(%run_scoped3A : memref<!tpu.dma_semaphore, #tpu.memory_space<semaphore_mem>>)
        %dma_wait3A = arith.constant 0 : i32
        %dma_wait3A_61 = tpu.memref_slice %arg5[%dma_wait3A] : memref<8192xf32, #tpu.memory_space<vmem>> -> memref<237xf32, #tpu.memory_space<vmem>>
        %dma_wait3A_62 = arith.constant 6098688 : i32
        %dma_wait3A_63 = tpu.memref_slice %arg2[%dma_wait3A_62] : memref<6098925xf32, #tpu.memory_space<hbm>> -> memref<237xf32, #tpu.memory_space<hbm>>
        %dma_wait3A_64 = arith.constant 0 : i32
        %dma_wait3A_65 = tpu.memref_slice %arg5[%dma_wait3A_64] : memref<8192xf32, #tpu.memory_space<vmem>> -> memref<237xf32, #tpu.memory_space<vmem>>
        %dma_wait3A_66 = arith.constant 6098688 : i32
        %dma_wait3A_67 = tpu.memref_slice %arg2[%dma_wait3A_66] : memref<6098925xf32, #tpu.memory_space<hbm>> -> memref<237xf32, #tpu.memory_space<hbm>>
        tpu.wait_dma2 semaphore(%run_scoped3A : memref<!tpu.dma_semaphore, #tpu.memory_space<semaphore_mem>>) src(%dma_wait3A_67 : memref<237xf32, #tpu.memory_space<hbm>>) dst(%dma_wait3A_65 : memref<237xf32, #tpu.memory_space<vmem>>)
        tpu.yield
      }) : () -> ()
      "tpu.region"() ({
        %run_scoped3A = tpu.sem_alloc : memref<!tpu.dma_semaphore, #tpu.memory_space<semaphore_mem>>
        %dma_start3A = arith.constant 0 : i32
        %dma_start3A_54 = tpu.memref_slice %arg6[%dma_start3A] : memref<8192xf32, #tpu.memory_space<vmem>> -> memref<237xf32, #tpu.memory_space<vmem>>
        %dma_start3A_55 = arith.constant 6098688 : i32
        %dma_start3A_56 = tpu.memref_slice %arg3[%dma_start3A_55] : memref<6098925xf32, #tpu.memory_space<hbm>> -> memref<237xf32, #tpu.memory_space<hbm>>
        %dma_start3A_57 = arith.constant 0 : i32
        %dma_start3A_58 = tpu.memref_slice %arg6[%dma_start3A_57] : memref<8192xf32, #tpu.memory_space<vmem>> -> memref<237xf32, #tpu.memory_space<vmem>>
        %dma_start3A_59 = arith.constant 6098688 : i32
        %dma_start3A_60 = tpu.memref_slice %arg3[%dma_start3A_59] : memref<6098925xf32, #tpu.memory_space<hbm>> -> memref<237xf32, #tpu.memory_space<hbm>>
        tpu.enqueue_dma source(%dma_start3A_60 : memref<237xf32, #tpu.memory_space<hbm>>) target(%dma_start3A_58 : memref<237xf32, #tpu.memory_space<vmem>>) target_semaphore(%run_scoped3A : memref<!tpu.dma_semaphore, #tpu.memory_space<semaphore_mem>>)
        %dma_wait3A = arith.constant 0 : i32
        %dma_wait3A_61 = tpu.memref_slice %arg6[%dma_wait3A] : memref<8192xf32, #tpu.memory_space<vmem>> -> memref<237xf32, #tpu.memory_space<vmem>>
        %dma_wait3A_62 = arith.constant 6098688 : i32
        %dma_wait3A_63 = tpu.memref_slice %arg3[%dma_wait3A_62] : memref<6098925xf32, #tpu.memory_space<hbm>> -> memref<237xf32, #tpu.memory_space<hbm>>
        %dma_wait3A_64 = arith.constant 0 : i32
        %dma_wait3A_65 = tpu.memref_slice %arg6[%dma_wait3A_64] : memref<8192xf32, #tpu.memory_space<vmem>> -> memref<237xf32, #tpu.memory_space<vmem>>
        %dma_wait3A_66 = arith.constant 6098688 : i32
        %dma_wait3A_67 = tpu.memref_slice %arg3[%dma_wait3A_66] : memref<6098925xf32, #tpu.memory_space<hbm>> -> memref<237xf32, #tpu.memory_space<hbm>>
        tpu.wait_dma2 semaphore(%run_scoped3A : memref<!tpu.dma_semaphore, #tpu.memory_space<semaphore_mem>>) src(%dma_wait3A_67 : memref<237xf32, #tpu.memory_space<hbm>>) dst(%dma_wait3A_65 : memref<237xf32, #tpu.memory_space<vmem>>)
        tpu.yield
      }) : () -> ()
      %shift_right_logical3A_38 = arith.constant 3 : i32
      %shift_right_logical3A_39 = vector.broadcast %shift_right_logical3A_38 : i32 to vector<16xi32>
      %shift_right_logical3A_40 = arith.shrui %iota3A, %shift_right_logical3A_39 : vector<16xi32>
      %and3A_41 = arith.constant 7 : i32
      %and3A_42 = vector.broadcast %and3A_41 : i32 to vector<16xi32>
      %and3A_43 = arith.andi %iota3A, %and3A_42 : vector<16xi32>
      %mul3A_44 = arith.constant 2 : i32
      %mul3A_45 = vector.broadcast %mul3A_44 : i32 to vector<16xi32>
      %mul3A_46 = arith.muli %and3A_43, %mul3A_45 : vector<16xi32>
      %scan3A_47 = arith.constant 0 : i32
      %scan3A_48 = arith.constant 0 : i32
      %scan3A_49 = arith.constant 15 : i32
      %scan3A_50 = arith.addi %scan3A_48, %scan3A_49 : i32
      %scan3A_51 = arith.constant 1 : i32
      %scan3A_52 = scf.for %scan3A_54 = %scan3A_48 to %scan3A_50 step %scan3A_51 iter_args(%scan3A_55 = %scan3A_47) -> (i32)  : i32 {
        %mul3A_56 = arith.constant 16 : i32
        %mul3A_57 = arith.muli %scan3A_54, %mul3A_56 : i32
        %get3A = arith.index_cast %mul3A_57 : i32 to index
        %get3A_58 = tpu.vector_load %arg5[%get3A] {strides = array<i32>} : memref<8192xf32, #tpu.memory_space<vmem>>, vector<16xf32>,
        %mul3A_59 = arith.constant 16 : i32
        %mul3A_60 = arith.muli %scan3A_54, %mul3A_59 : i32
        %get3A_61 = arith.index_cast %mul3A_60 : i32 to index
        %get3A_62 = tpu.vector_load %arg6[%get3A_61] {strides = array<i32>} : memref<8192xf32, #tpu.memory_space<vmem>>, vector<16xf32>,
        %mul3A_63 = arith.constant 2 : i32
        %mul3A_64 = arith.muli %scan3A_54, %mul3A_63 : i32
        %add3A_65 = vector.broadcast %mul3A_64 : i32 to vector<16xi32>
        %add3A_66 = arith.addi %shift_right_logical3A_40, %add3A_65 : vector<16xi32>
        tpu.vector_store_idx %arg7[%add3A_66, %mul3A_46], %get3A_58 : memref<1024x16xf32, #tpu.memory_space<vmem>>[vector<16xi32>, vector<16xi32>], vector<16xf32>,
        %add3A_67 = arith.constant 1 : i32
        %add3A_68 = vector.broadcast %add3A_67 : i32 to vector<16xi32>
        %add3A_69 = arith.addi %mul3A_46, %add3A_68 : vector<16xi32>
        tpu.vector_store_idx %arg7[%add3A_66, %add3A_69], %get3A_62 : memref<1024x16xf32, #tpu.memory_space<vmem>>[vector<16xi32>, vector<16xi32>], vector<16xf32>,
        %scan3A_70 = arith.constant 0 : i32
        scf.yield %scan3A_70 : i32
      }
      %scan3A_53 = arith.constant 15 : i32
      "tpu.region"() ({
        %run_scoped3A = tpu.sem_alloc : memref<!tpu.dma_semaphore, #tpu.memory_space<semaphore_mem>>
        %dma_start3A = arith.constant 0 : i32
        %dma_start3A_54 = arith.constant 0 : i32
        %dma_start3A_55 = tpu.memref_slice %arg7[%dma_start3A, %dma_start3A_54] : memref<1024x16xf32, #tpu.memory_space<vmem>> -> memref<30x16xf32, #tpu.memory_space<vmem>>
        %dma_start3A_56 = arith.constant 762336 : i32
        %dma_start3A_57 = arith.constant 0 : i32
        %dma_start3A_58 = tpu.memref_slice %arg4[%dma_start3A_56, %dma_start3A_57] : memref<762366x16xf32, #tpu.memory_space<hbm>> -> memref<30x16xf32, #tpu.memory_space<hbm>>
        %dma_start3A_59 = arith.constant 762336 : i32
        %dma_start3A_60 = arith.constant 0 : i32
        %dma_start3A_61 = tpu.memref_slice %arg4[%dma_start3A_59, %dma_start3A_60] : memref<762366x16xf32, #tpu.memory_space<hbm>> -> memref<30x16xf32, #tpu.memory_space<hbm>>
        %dma_start3A_62 = arith.constant 0 : i32
        %dma_start3A_63 = arith.constant 0 : i32
        %dma_start3A_64 = tpu.memref_slice %arg7[%dma_start3A_62, %dma_start3A_63] : memref<1024x16xf32, #tpu.memory_space<vmem>> -> memref<30x16xf32, #tpu.memory_space<vmem>>
        tpu.enqueue_dma source(%dma_start3A_64 : memref<30x16xf32, #tpu.memory_space<vmem>>) target(%dma_start3A_61 : memref<30x16xf32, #tpu.memory_space<hbm>>) target_semaphore(%run_scoped3A : memref<!tpu.dma_semaphore, #tpu.memory_space<semaphore_mem>>)
        %dma_wait3A = arith.constant 0 : i32
        %dma_wait3A_65 = arith.constant 0 : i32
        %dma_wait3A_66 = tpu.memref_slice %arg7[%dma_wait3A, %dma_wait3A_65] : memref<1024x16xf32, #tpu.memory_space<vmem>> -> memref<30x16xf32, #tpu.memory_space<vmem>>
        %dma_wait3A_67 = arith.constant 762336 : i32
        %dma_wait3A_68 = arith.constant 0 : i32
        %dma_wait3A_69 = tpu.memref_slice %arg4[%dma_wait3A_67, %dma_wait3A_68] : memref<762366x16xf32, #tpu.memory_space<hbm>> -> memref<30x16xf32, #tpu.memory_space<hbm>>
        %dma_wait3A_70 = arith.constant 762336 : i32
        %dma_wait3A_71 = arith.constant 0 : i32
        %dma_wait3A_72 = tpu.memref_slice %arg4[%dma_wait3A_70, %dma_wait3A_71] : memref<762366x16xf32, #tpu.memory_space<hbm>> -> memref<30x16xf32, #tpu.memory_space<hbm>>
        %dma_wait3A_73 = arith.constant 0 : i32
        %dma_wait3A_74 = arith.constant 0 : i32
        %dma_wait3A_75 = tpu.memref_slice %arg7[%dma_wait3A_73, %dma_wait3A_74] : memref<1024x16xf32, #tpu.memory_space<vmem>> -> memref<30x16xf32, #tpu.memory_space<vmem>>
        tpu.wait_dma2 semaphore(%run_scoped3A : memref<!tpu.dma_semaphore, #tpu.memory_space<semaphore_mem>>) src(%dma_wait3A_75 : memref<30x16xf32, #tpu.memory_space<vmem>>) dst(%dma_wait3A_72 : memref<30x16xf32, #tpu.memory_space<hbm>>)
        tpu.yield
      }) : () -> ()
    } else {
    }
    return
  }
}

#map = affine_map<(d0, d1) -> (0, 0)>
#map1 = affine_map<(d0, d1) -> (0)>
module attributes {stable_mosaic.version = 14 : i64} {
  func.func @_encode_sc(%arg0: i32, %arg1: i32, %arg2: memref<3x131072xf32, #tpu.memory_space<hbm>>, %arg3: memref<762366x16xf32, #tpu.memory_space<hbm>>, %arg4: memref<96xf32, #tpu.memory_space<hbm>>, %arg5: memref<256xf32, #tpu.memory_space<hbm>>, %arg6: memref<256xi32, #tpu.memory_space<hbm>>, %arg7: memref<131072x32xf32, #tpu.memory_space<hbm>>, %arg8: memref<768xf32, #tpu.memory_space<vmem>>, %arg9: memref<96xf32, #tpu.memory_space<vmem>>, %arg10: memref<256xf32, #tpu.memory_space<vmem>>, %arg11: memref<256xi32, #tpu.memory_space<vmem>>, %arg12: memref<768xf32, #tpu.memory_space<vmem>>, %arg13: memref<256xf32, #tpu.memory_space<vmem>>, %arg14: memref<2048xi32, #tpu.memory_space<vmem>>, %arg15: memref<2048xi32, #tpu.memory_space<vmem>>, %arg16: memref<2048xf32, #tpu.memory_space<vmem>>, %arg17: memref<2048x16xf32, #tpu.memory_space<vmem>>, %arg18: memref<256x32xf32, #tpu.memory_space<vmem>>, %arg19: memref<!tpu.dma_semaphore, #tpu.memory_space<semaphore_mem>>) attributes {dimension_semantics = [#tpu.dimension_semantics<core_parallel>, #tpu.dimension_semantics<subcore_parallel>], iteration_bounds = array<i64: 2, 16>, scalar_prefetch = 0 : i64, scratch_operands = 12 : i64, tpu.core_type = #tpu.core_type<sc_vector_subcore>, window_params = [{transform_indices = #map}, {transform_indices = #map}, {transform_indices = #map1}, {transform_indices = #map1}, {transform_indices = #map1}, {transform_indices = #map}]} {
    %mul3A = arith.constant 2 : i32
    %mul3A_0 = arith.muli %arg1, %mul3A : i32
    %add3A = arith.addi %mul3A_0, %arg0 : i32
    %mul3A_1 = arith.constant 4096 : i32
    %mul3A_2 = arith.muli %add3A, %mul3A_1 : i32
    "tpu.region"() ({
      %run_scoped3A = tpu.sem_alloc : memref<!tpu.dma_semaphore, #tpu.memory_space<semaphore_mem>>
      tpu.enqueue_dma source(%arg4 : memref<96xf32, #tpu.memory_space<hbm>>) target(%arg9 : memref<96xf32, #tpu.memory_space<vmem>>) target_semaphore(%run_scoped3A : memref<!tpu.dma_semaphore, #tpu.memory_space<semaphore_mem>>)
      tpu.wait_dma2 semaphore(%run_scoped3A : memref<!tpu.dma_semaphore, #tpu.memory_space<semaphore_mem>>) src(%arg4 : memref<96xf32, #tpu.memory_space<hbm>>) dst(%arg9 : memref<96xf32, #tpu.memory_space<vmem>>)
      tpu.yield
    }) : () -> ()
    "tpu.region"() ({
      %run_scoped3A = tpu.sem_alloc : memref<!tpu.dma_semaphore, #tpu.memory_space<semaphore_mem>>
      tpu.enqueue_dma source(%arg5 : memref<256xf32, #tpu.memory_space<hbm>>) target(%arg10 : memref<256xf32, #tpu.memory_space<vmem>>) target_semaphore(%run_scoped3A : memref<!tpu.dma_semaphore, #tpu.memory_space<semaphore_mem>>)
      tpu.wait_dma2 semaphore(%run_scoped3A : memref<!tpu.dma_semaphore, #tpu.memory_space<semaphore_mem>>) src(%arg5 : memref<256xf32, #tpu.memory_space<hbm>>) dst(%arg10 : memref<256xf32, #tpu.memory_space<vmem>>)
      tpu.yield
    }) : () -> ()
    "tpu.region"() ({
      %run_scoped3A = tpu.sem_alloc : memref<!tpu.dma_semaphore, #tpu.memory_space<semaphore_mem>>
      tpu.enqueue_dma source(%arg6 : memref<256xi32, #tpu.memory_space<hbm>>) target(%arg11 : memref<256xi32, #tpu.memory_space<vmem>>) target_semaphore(%run_scoped3A : memref<!tpu.dma_semaphore, #tpu.memory_space<semaphore_mem>>)
      tpu.wait_dma2 semaphore(%run_scoped3A : memref<!tpu.dma_semaphore, #tpu.memory_space<semaphore_mem>>) src(%arg6 : memref<256xi32, #tpu.memory_space<hbm>>) dst(%arg11 : memref<256xi32, #tpu.memory_space<vmem>>)
      tpu.yield
    }) : () -> ()
    %iota3A = tpu.iota {dimensions = array<i32: 0>} : vector<16xi32>
    %broadcast_in_dim3A = arith.constant -1640531535 : i32
    %broadcast_in_dim3A_3 = vector.broadcast %broadcast_in_dim3A : i32 to vector<16xi32>
    %broadcast_in_dim3A_4 = arith.constant 805459861 : i32
    %broadcast_in_dim3A_5 = vector.broadcast %broadcast_in_dim3A_4 : i32 to vector<16xi32>
    %broadcast_in_dim3A_6 = arith.constant 524287 : i32
    %broadcast_in_dim3A_7 = vector.broadcast %broadcast_in_dim3A_6 : i32 to vector<16xi32>
    %scan3A = arith.constant 0 : i32
    %scan3A_8 = arith.constant 0 : i32
    %scan3A_9 = arith.constant 16 : i32
    %scan3A_10 = arith.addi %scan3A_8, %scan3A_9 : i32
    %scan3A_11 = arith.constant 1 : i32
    %scan3A_12 = scf.for %scan3A_14 = %scan3A_8 to %scan3A_10 step %scan3A_11 iter_args(%scan3A_15 = %scan3A) -> (i32)  : i32 {
      %mul3A_16 = arith.constant 256 : i32
      %mul3A_17 = arith.muli %scan3A_14, %mul3A_16 : i32
      %add3A_18 = arith.addi %mul3A_2, %mul3A_17 : i32
      %run_scoped3A = arith.constant 0 : i32
      "tpu.region"() ({
        %run_scoped3A_36 = tpu.sem_alloc : memref<!tpu.dma_semaphore, #tpu.memory_space<semaphore_mem>>
        %dma_start3A = arith.constant 0 : i32
        %dma_start3A_37 = tpu.memref_slice %arg8[%dma_start3A] : memref<768xf32, #tpu.memory_space<vmem>> -> memref<256xf32, #tpu.memory_space<vmem>>
        %dma_start3A_38 = tpu.memref_slice %arg2[%run_scoped3A, %add3A_18] : memref<3x131072xf32, #tpu.memory_space<hbm>> -> memref<1x256xf32, #tpu.memory_space<hbm>>
        %dma_start3A_39 = tpu.memref_squeeze %dma_start3A_38 : memref<1x256xf32, #tpu.memory_space<hbm>> -> memref<256xf32, #tpu.memory_space<hbm>>
        %dma_start3A_40 = arith.constant 0 : i32
        %dma_start3A_41 = tpu.memref_slice %arg8[%dma_start3A_40] : memref<768xf32, #tpu.memory_space<vmem>> -> memref<256xf32, #tpu.memory_space<vmem>>
        %dma_start3A_42 = tpu.memref_slice %arg2[%run_scoped3A, %add3A_18] : memref<3x131072xf32, #tpu.memory_space<hbm>> -> memref<1x256xf32, #tpu.memory_space<hbm>>
        %dma_start3A_43 = tpu.memref_squeeze %dma_start3A_42 : memref<1x256xf32, #tpu.memory_space<hbm>> -> memref<256xf32, #tpu.memory_space<hbm>>
        tpu.enqueue_dma source(%dma_start3A_43 : memref<256xf32, #tpu.memory_space<hbm>>) target(%dma_start3A_41 : memref<256xf32, #tpu.memory_space<vmem>>) target_semaphore(%run_scoped3A_36 : memref<!tpu.dma_semaphore, #tpu.memory_space<semaphore_mem>>)
        %dma_wait3A = arith.constant 0 : i32
        %dma_wait3A_44 = tpu.memref_slice %arg8[%dma_wait3A] : memref<768xf32, #tpu.memory_space<vmem>> -> memref<256xf32, #tpu.memory_space<vmem>>
        %dma_wait3A_45 = tpu.memref_slice %arg2[%run_scoped3A, %add3A_18] : memref<3x131072xf32, #tpu.memory_space<hbm>> -> memref<1x256xf32, #tpu.memory_space<hbm>>
        %dma_wait3A_46 = tpu.memref_squeeze %dma_wait3A_45 : memref<1x256xf32, #tpu.memory_space<hbm>> -> memref<256xf32, #tpu.memory_space<hbm>>
        %dma_wait3A_47 = arith.constant 0 : i32
        %dma_wait3A_48 = tpu.memref_slice %arg8[%dma_wait3A_47] : memref<768xf32, #tpu.memory_space<vmem>> -> memref<256xf32, #tpu.memory_space<vmem>>
        %dma_wait3A_49 = tpu.memref_slice %arg2[%run_scoped3A, %add3A_18] : memref<3x131072xf32, #tpu.memory_space<hbm>> -> memref<1x256xf32, #tpu.memory_space<hbm>>
        %dma_wait3A_50 = tpu.memref_squeeze %dma_wait3A_49 : memref<1x256xf32, #tpu.memory_space<hbm>> -> memref<256xf32, #tpu.memory_space<hbm>>
        tpu.wait_dma2 semaphore(%run_scoped3A_36 : memref<!tpu.dma_semaphore, #tpu.memory_space<semaphore_mem>>) src(%dma_wait3A_50 : memref<256xf32, #tpu.memory_space<hbm>>) dst(%dma_wait3A_48 : memref<256xf32, #tpu.memory_space<vmem>>)
        tpu.yield
      }) : () -> ()
      %run_scoped3A_19 = arith.constant 1 : i32
      "tpu.region"() ({
        %run_scoped3A_36 = tpu.sem_alloc : memref<!tpu.dma_semaphore, #tpu.memory_space<semaphore_mem>>
        %dma_start3A = arith.constant 256 : i32
        %dma_start3A_37 = tpu.memref_slice %arg8[%dma_start3A] : memref<768xf32, #tpu.memory_space<vmem>> -> memref<256xf32, #tpu.memory_space<vmem>>
        %dma_start3A_38 = tpu.memref_slice %arg2[%run_scoped3A_19, %add3A_18] : memref<3x131072xf32, #tpu.memory_space<hbm>> -> memref<1x256xf32, #tpu.memory_space<hbm>>
        %dma_start3A_39 = tpu.memref_squeeze %dma_start3A_38 : memref<1x256xf32, #tpu.memory_space<hbm>> -> memref<256xf32, #tpu.memory_space<hbm>>
        %dma_start3A_40 = arith.constant 256 : i32
        %dma_start3A_41 = tpu.memref_slice %arg8[%dma_start3A_40] : memref<768xf32, #tpu.memory_space<vmem>> -> memref<256xf32, #tpu.memory_space<vmem>>
        %dma_start3A_42 = tpu.memref_slice %arg2[%run_scoped3A_19, %add3A_18] : memref<3x131072xf32, #tpu.memory_space<hbm>> -> memref<1x256xf32, #tpu.memory_space<hbm>>
        %dma_start3A_43 = tpu.memref_squeeze %dma_start3A_42 : memref<1x256xf32, #tpu.memory_space<hbm>> -> memref<256xf32, #tpu.memory_space<hbm>>
        tpu.enqueue_dma source(%dma_start3A_43 : memref<256xf32, #tpu.memory_space<hbm>>) target(%dma_start3A_41 : memref<256xf32, #tpu.memory_space<vmem>>) target_semaphore(%run_scoped3A_36 : memref<!tpu.dma_semaphore, #tpu.memory_space<semaphore_mem>>)
        %dma_wait3A = arith.constant 256 : i32
        %dma_wait3A_44 = tpu.memref_slice %arg8[%dma_wait3A] : memref<768xf32, #tpu.memory_space<vmem>> -> memref<256xf32, #tpu.memory_space<vmem>>
        %dma_wait3A_45 = tpu.memref_slice %arg2[%run_scoped3A_19, %add3A_18] : memref<3x131072xf32, #tpu.memory_space<hbm>> -> memref<1x256xf32, #tpu.memory_space<hbm>>
        %dma_wait3A_46 = tpu.memref_squeeze %dma_wait3A_45 : memref<1x256xf32, #tpu.memory_space<hbm>> -> memref<256xf32, #tpu.memory_space<hbm>>
        %dma_wait3A_47 = arith.constant 256 : i32
        %dma_wait3A_48 = tpu.memref_slice %arg8[%dma_wait3A_47] : memref<768xf32, #tpu.memory_space<vmem>> -> memref<256xf32, #tpu.memory_space<vmem>>
        %dma_wait3A_49 = tpu.memref_slice %arg2[%run_scoped3A_19, %add3A_18] : memref<3x131072xf32, #tpu.memory_space<hbm>> -> memref<1x256xf32, #tpu.memory_space<hbm>>
        %dma_wait3A_50 = tpu.memref_squeeze %dma_wait3A_49 : memref<1x256xf32, #tpu.memory_space<hbm>> -> memref<256xf32, #tpu.memory_space<hbm>>
        tpu.wait_dma2 semaphore(%run_scoped3A_36 : memref<!tpu.dma_semaphore, #tpu.memory_space<semaphore_mem>>) src(%dma_wait3A_50 : memref<256xf32, #tpu.memory_space<hbm>>) dst(%dma_wait3A_48 : memref<256xf32, #tpu.memory_space<vmem>>)
        tpu.yield
      }) : () -> ()
      %run_scoped3A_20 = arith.constant 2 : i32
      "tpu.region"() ({
        %run_scoped3A_36 = tpu.sem_alloc : memref<!tpu.dma_semaphore, #tpu.memory_space<semaphore_mem>>
        %dma_start3A = arith.constant 512 : i32
        %dma_start3A_37 = tpu.memref_slice %arg8[%dma_start3A] : memref<768xf32, #tpu.memory_space<vmem>> -> memref<256xf32, #tpu.memory_space<vmem>>
        %dma_start3A_38 = tpu.memref_slice %arg2[%run_scoped3A_20, %add3A_18] : memref<3x131072xf32, #tpu.memory_space<hbm>> -> memref<1x256xf32, #tpu.memory_space<hbm>>
        %dma_start3A_39 = tpu.memref_squeeze %dma_start3A_38 : memref<1x256xf32, #tpu.memory_space<hbm>> -> memref<256xf32, #tpu.memory_space<hbm>>
        %dma_start3A_40 = arith.constant 512 : i32
        %dma_start3A_41 = tpu.memref_slice %arg8[%dma_start3A_40] : memref<768xf32, #tpu.memory_space<vmem>> -> memref<256xf32, #tpu.memory_space<vmem>>
        %dma_start3A_42 = tpu.memref_slice %arg2[%run_scoped3A_20, %add3A_18] : memref<3x131072xf32, #tpu.memory_space<hbm>> -> memref<1x256xf32, #tpu.memory_space<hbm>>
        %dma_start3A_43 = tpu.memref_squeeze %dma_start3A_42 : memref<1x256xf32, #tpu.memory_space<hbm>> -> memref<256xf32, #tpu.memory_space<hbm>>
        tpu.enqueue_dma source(%dma_start3A_43 : memref<256xf32, #tpu.memory_space<hbm>>) target(%dma_start3A_41 : memref<256xf32, #tpu.memory_space<vmem>>) target_semaphore(%run_scoped3A_36 : memref<!tpu.dma_semaphore, #tpu.memory_space<semaphore_mem>>)
        %dma_wait3A = arith.constant 512 : i32
        %dma_wait3A_44 = tpu.memref_slice %arg8[%dma_wait3A] : memref<768xf32, #tpu.memory_space<vmem>> -> memref<256xf32, #tpu.memory_space<vmem>>
        %dma_wait3A_45 = tpu.memref_slice %arg2[%run_scoped3A_20, %add3A_18] : memref<3x131072xf32, #tpu.memory_space<hbm>> -> memref<1x256xf32, #tpu.memory_space<hbm>>
        %dma_wait3A_46 = tpu.memref_squeeze %dma_wait3A_45 : memref<1x256xf32, #tpu.memory_space<hbm>> -> memref<256xf32, #tpu.memory_space<hbm>>
        %dma_wait3A_47 = arith.constant 512 : i32
        %dma_wait3A_48 = tpu.memref_slice %arg8[%dma_wait3A_47] : memref<768xf32, #tpu.memory_space<vmem>> -> memref<256xf32, #tpu.memory_space<vmem>>
        %dma_wait3A_49 = tpu.memref_slice %arg2[%run_scoped3A_20, %add3A_18] : memref<3x131072xf32, #tpu.memory_space<hbm>> -> memref<1x256xf32, #tpu.memory_space<hbm>>
        %dma_wait3A_50 = tpu.memref_squeeze %dma_wait3A_49 : memref<1x256xf32, #tpu.memory_space<hbm>> -> memref<256xf32, #tpu.memory_space<hbm>>
        tpu.wait_dma2 semaphore(%run_scoped3A_36 : memref<!tpu.dma_semaphore, #tpu.memory_space<semaphore_mem>>) src(%dma_wait3A_50 : memref<256xf32, #tpu.memory_space<hbm>>) dst(%dma_wait3A_48 : memref<256xf32, #tpu.memory_space<vmem>>)
        tpu.yield
      }) : () -> ()
      %scan3A_21 = arith.constant 0 : i32
      %scan3A_22 = arith.constant 0 : i32
      %scan3A_23 = arith.constant 16 : i32
      %scan3A_24 = arith.addi %scan3A_22, %scan3A_23 : i32
      %scan3A_25 = arith.constant 1 : i32
      %scan3A_26 = scf.for %scan3A_36 = %scan3A_22 to %scan3A_24 step %scan3A_25 iter_args(%scan3A_37 = %scan3A_21) -> (i32)  : i32 {
        %get3A = arith.constant 0 : index
        %get3A_38 = tpu.vector_load %arg9[%get3A] {strides = array<i32>} : memref<96xf32, #tpu.memory_space<vmem>>, vector<16xf32>,
        %get3A_39 = arith.constant 48 : index
        %get3A_40 = tpu.vector_load %arg9[%get3A_39] {strides = array<i32>} : memref<96xf32, #tpu.memory_space<vmem>>, vector<16xf32>,
        %mul3A_41 = arith.constant 16 : i32
        %mul3A_42 = arith.muli %scan3A_36, %mul3A_41 : i32
        %add3A_43 = arith.constant 0 : i32
        %add3A_44 = arith.addi %add3A_43, %mul3A_42 : i32
        %get3A_45 = arith.index_cast %add3A_44 : i32 to index
        %get3A_46 = tpu.vector_load %arg8[%get3A_45] {strides = array<i32>} : memref<768xf32, #tpu.memory_space<vmem>>, vector<16xf32>,
        %sub3A = arith.subf %get3A_46, %get3A_38 : vector<16xf32>
        %sub3A_47 = arith.subf %get3A_40, %get3A_38 : vector<16xf32>
        %div3A = arith.divf %sub3A, %sub3A_47 : vector<16xf32>
        %ge3A = arith.constant 0.000000e+00 : f32
        %ge3A_48 = vector.broadcast %ge3A : f32 to vector<16xf32>
        %ge3A_49 = arith.cmpf oge, %div3A, %ge3A_48 : vector<16xf32>
        %le3A = arith.constant 1.000000e+00 : f32
        %le3A_50 = vector.broadcast %le3A : f32 to vector<16xf32>
        %le3A_51 = arith.cmpf ole, %div3A, %le3A_50 : vector<16xf32>
        %and3A = arith.andi %ge3A_49, %le3A_51 : vector<16xi1>
        %jit3A = arith.constant 0.000000e+00 : f32
        %jit3A_52 = arith.constant 1.000000e+00 : f32
        %max3A = vector.broadcast %jit3A : f32 to vector<16xf32>
        %max3A_53 = arith.maximumf %max3A, %div3A : vector<16xf32>
        %min3A = vector.broadcast %jit3A_52 : f32 to vector<16xf32>
        %min3A_54 = arith.minimumf %min3A, %max3A_53 : vector<16xf32>
        %mul3A_55 = arith.constant 16 : i32
        %mul3A_56 = arith.muli %scan3A_36, %mul3A_55 : i32
        %add3A_57 = arith.constant 0 : i32
        %add3A_58 = arith.addi %add3A_57, %mul3A_56 : i32
        %swap3A = arith.index_cast %add3A_58 : i32 to index
        %swap3A_59 = tpu.vector_load %arg12[%swap3A] {strides = array<i32>} : memref<768xf32, #tpu.memory_space<vmem>>, vector<16xf32>,
        tpu.vector_store %arg12[%swap3A], %min3A_54 {strides = array<i32>} : memref<768xf32, #tpu.memory_space<vmem>>, vector<16xf32>,
        %get3A_60 = arith.constant 16 : index
        %get3A_61 = tpu.vector_load %arg9[%get3A_60] {strides = array<i32>} : memref<96xf32, #tpu.memory_space<vmem>>, vector<16xf32>,
        %get3A_62 = arith.constant 64 : index
        %get3A_63 = tpu.vector_load %arg9[%get3A_62] {strides = array<i32>} : memref<96xf32, #tpu.memory_space<vmem>>, vector<16xf32>,
        %mul3A_64 = arith.constant 16 : i32
        %mul3A_65 = arith.muli %scan3A_36, %mul3A_64 : i32
        %add3A_66 = arith.constant 256 : i32
        %add3A_67 = arith.addi %add3A_66, %mul3A_65 : i32
        %get3A_68 = arith.index_cast %add3A_67 : i32 to index
        %get3A_69 = tpu.vector_load %arg8[%get3A_68] {strides = array<i32>} : memref<768xf32, #tpu.memory_space<vmem>>, vector<16xf32>,
        %sub3A_70 = arith.subf %get3A_69, %get3A_61 : vector<16xf32>
        %sub3A_71 = arith.subf %get3A_63, %get3A_61 : vector<16xf32>
        %div3A_72 = arith.divf %sub3A_70, %sub3A_71 : vector<16xf32>
        %ge3A_73 = arith.constant 0.000000e+00 : f32
        %ge3A_74 = vector.broadcast %ge3A_73 : f32 to vector<16xf32>
        %ge3A_75 = arith.cmpf oge, %div3A_72, %ge3A_74 : vector<16xf32>
        %le3A_76 = arith.constant 1.000000e+00 : f32
        %le3A_77 = vector.broadcast %le3A_76 : f32 to vector<16xf32>
        %le3A_78 = arith.cmpf ole, %div3A_72, %le3A_77 : vector<16xf32>
        %and3A_79 = arith.andi %ge3A_75, %le3A_78 : vector<16xi1>
        %and3A_80 = arith.andi %and3A, %and3A_79 : vector<16xi1>
        %jit3A_81 = arith.constant 0.000000e+00 : f32
        %jit3A_82 = arith.constant 1.000000e+00 : f32
        %max3A_83 = vector.broadcast %jit3A_81 : f32 to vector<16xf32>
        %max3A_84 = arith.maximumf %max3A_83, %div3A_72 : vector<16xf32>
        %min3A_85 = vector.broadcast %jit3A_82 : f32 to vector<16xf32>
        %min3A_86 = arith.minimumf %min3A_85, %max3A_84 : vector<16xf32>
        %mul3A_87 = arith.constant 16 : i32
        %mul3A_88 = arith.muli %scan3A_36, %mul3A_87 : i32
        %add3A_89 = arith.constant 256 : i32
        %add3A_90 = arith.addi %add3A_89, %mul3A_88 : i32
        %swap3A_91 = arith.index_cast %add3A_90 : i32 to index
        %swap3A_92 = tpu.vector_load %arg12[%swap3A_91] {strides = array<i32>} : memref<768xf32, #tpu.memory_space<vmem>>, vector<16xf32>,
        tpu.vector_store %arg12[%swap3A_91], %min3A_86 {strides = array<i32>} : memref<768xf32, #tpu.memory_space<vmem>>, vector<16xf32>,
        %get3A_93 = arith.constant 32 : index
        %get3A_94 = tpu.vector_load %arg9[%get3A_93] {strides = array<i32>} : memref<96xf32, #tpu.memory_space<vmem>>, vector<16xf32>,
        %get3A_95 = arith.constant 80 : index
        %get3A_96 = tpu.vector_load %arg9[%get3A_95] {strides = array<i32>} : memref<96xf32, #tpu.memory_space<vmem>>, vector<16xf32>,
        %mul3A_97 = arith.constant 16 : i32
        %mul3A_98 = arith.muli %scan3A_36, %mul3A_97 : i32
        %add3A_99 = arith.constant 512 : i32
        %add3A_100 = arith.addi %add3A_99, %mul3A_98 : i32
        %get3A_101 = arith.index_cast %add3A_100 : i32 to index
        %get3A_102 = tpu.vector_load %arg8[%get3A_101] {strides = array<i32>} : memref<768xf32, #tpu.memory_space<vmem>>, vector<16xf32>,
        %sub3A_103 = arith.subf %get3A_102, %get3A_94 : vector<16xf32>
        %sub3A_104 = arith.subf %get3A_96, %get3A_94 : vector<16xf32>
        %div3A_105 = arith.divf %sub3A_103, %sub3A_104 : vector<16xf32>
        %ge3A_106 = arith.constant 0.000000e+00 : f32
        %ge3A_107 = vector.broadcast %ge3A_106 : f32 to vector<16xf32>
        %ge3A_108 = arith.cmpf oge, %div3A_105, %ge3A_107 : vector<16xf32>
        %le3A_109 = arith.constant 1.000000e+00 : f32
        %le3A_110 = vector.broadcast %le3A_109 : f32 to vector<16xf32>
        %le3A_111 = arith.cmpf ole, %div3A_105, %le3A_110 : vector<16xf32>
        %and3A_112 = arith.andi %ge3A_108, %le3A_111 : vector<16xi1>
        %and3A_113 = arith.andi %and3A_80, %and3A_112 : vector<16xi1>
        %jit3A_114 = arith.constant 0.000000e+00 : f32
        %jit3A_115 = arith.constant 1.000000e+00 : f32
        %max3A_116 = vector.broadcast %jit3A_114 : f32 to vector<16xf32>
        %max3A_117 = arith.maximumf %max3A_116, %div3A_105 : vector<16xf32>
        %min3A_118 = vector.broadcast %jit3A_115 : f32 to vector<16xf32>
        %min3A_119 = arith.minimumf %min3A_118, %max3A_117 : vector<16xf32>
        %mul3A_120 = arith.constant 16 : i32
        %mul3A_121 = arith.muli %scan3A_36, %mul3A_120 : i32
        %add3A_122 = arith.constant 512 : i32
        %add3A_123 = arith.addi %add3A_122, %mul3A_121 : i32
        %swap3A_124 = arith.index_cast %add3A_123 : i32 to index
        %swap3A_125 = tpu.vector_load %arg12[%swap3A_124] {strides = array<i32>} : memref<768xf32, #tpu.memory_space<vmem>>, vector<16xf32>,
        tpu.vector_store %arg12[%swap3A_124], %min3A_119 {strides = array<i32>} : memref<768xf32, #tpu.memory_space<vmem>>, vector<16xf32>,
        %jit3A_126 = arith.constant 1.000000e+00 : f32
        %jit3A_127 = arith.constant 0.000000e+00 : f32
        %broadcast_in_dim3A_128 = vector.broadcast %jit3A_126 : f32 to vector<16xf32>
        %broadcast_in_dim3A_129 = vector.broadcast %jit3A_127 : f32 to vector<16xf32>
        %select_n3A = arith.select %and3A_113, %broadcast_in_dim3A_128, %broadcast_in_dim3A_129 : vector<16xi1>, vector<16xf32>
        %mul3A_130 = arith.constant 16 : i32
        %mul3A_131 = arith.muli %scan3A_36, %mul3A_130 : i32
        %swap3A_132 = arith.index_cast %mul3A_131 : i32 to index
        %swap3A_133 = tpu.vector_load %arg13[%swap3A_132] {strides = array<i32>} : memref<256xf32, #tpu.memory_space<vmem>>, vector<16xf32>,
        tpu.vector_store %arg13[%swap3A_132], %select_n3A {strides = array<i32>} : memref<256xf32, #tpu.memory_space<vmem>>, vector<16xf32>,
        %scan3A_134 = arith.constant 0 : i32
        scf.yield %scan3A_134 : i32
      }
      %scan3A_27 = arith.constant 16 : i32
      %scan3A_28 = arith.constant 0 : i32
      %scan3A_29 = arith.constant 0 : i32
      %scan3A_30 = arith.constant 16 : i32
      %scan3A_31 = arith.addi %scan3A_29, %scan3A_30 : i32
      %scan3A_32 = arith.constant 1 : i32
      %scan3A_33 = scf.for %scan3A_36 = %scan3A_29 to %scan3A_31 step %scan3A_32 iter_args(%scan3A_37 = %scan3A_28) -> (i32)  : i32 {
        %mul3A_38 = arith.constant 16 : i32
        %mul3A_39 = arith.muli %scan3A_36, %mul3A_38 : i32
        %get3A = arith.index_cast %mul3A_39 : i32 to index
        %get3A_40 = tpu.vector_load %arg10[%get3A] {strides = array<i32>} : memref<256xf32, #tpu.memory_space<vmem>>, vector<16xf32>,
        %mul3A_41 = arith.constant 16 : i32
        %mul3A_42 = arith.muli %scan3A_36, %mul3A_41 : i32
        %get3A_43 = arith.index_cast %mul3A_42 : i32 to index
        %get3A_44 = tpu.vector_load %arg11[%get3A_43] {strides = array<i32>} : memref<256xi32, #tpu.memory_space<vmem>>, vector<16xi32>,
        %convert_element_type3A = arith.fptosi %get3A_40 : vector<16xf32> to vector<16xi32>
        %sub3A = arith.constant 1 : i32
        %sub3A_45 = vector.broadcast %sub3A : i32 to vector<16xi32>
        %sub3A_46 = arith.subi %convert_element_type3A, %sub3A_45 : vector<16xi32>
        %add3A_47 = arith.constant 1 : i32
        %add3A_48 = vector.broadcast %add3A_47 : i32 to vector<16xi32>
        %add3A_49 = arith.addi %convert_element_type3A, %add3A_48 : vector<16xi32>
        %mul3A_50 = arith.muli %add3A_49, %add3A_49 : vector<16xi32>
        %broadcast_in_dim3A_51 = vector.broadcast %scan3A_36 : i32 to vector<16xi32>
        %lt3A = arith.constant 5 : i32
        %lt3A_52 = vector.broadcast %lt3A : i32 to vector<16xi32>
        %lt3A_53 = arith.cmpi slt, %broadcast_in_dim3A_51, %lt3A_52 : vector<16xi32>
        %scan3A_54 = arith.constant 0 : i32
        %scan3A_55 = arith.constant 0 : i32
        %scan3A_56 = arith.constant 16 : i32
        %scan3A_57 = arith.addi %scan3A_55, %scan3A_56 : i32
        %scan3A_58 = arith.constant 1 : i32
        %scan3A_59 = scf.for %scan3A_86 = %scan3A_55 to %scan3A_57 step %scan3A_58 iter_args(%scan3A_87 = %scan3A_54) -> (i32)  : i32 {
          %mul3A_88 = arith.constant 16 : i32
          %mul3A_89 = arith.muli %scan3A_86, %mul3A_88 : i32
          %add3A_90 = arith.constant 0 : i32
          %add3A_91 = arith.addi %add3A_90, %mul3A_89 : i32
          %get3A_92 = arith.index_cast %add3A_91 : i32 to index
          %get3A_93 = tpu.vector_load %arg12[%get3A_92] {strides = array<i32>} : memref<768xf32, #tpu.memory_space<vmem>>, vector<16xf32>,
          %mul3A_94 = arith.mulf %get3A_93, %get3A_40 : vector<16xf32>
          %mul3A_95 = arith.constant 16 : i32
          %mul3A_96 = arith.muli %scan3A_86, %mul3A_95 : i32
          %add3A_97 = arith.constant 256 : i32
          %add3A_98 = arith.addi %add3A_97, %mul3A_96 : i32
          %get3A_99 = arith.index_cast %add3A_98 : i32 to index
          %get3A_100 = tpu.vector_load %arg12[%get3A_99] {strides = array<i32>} : memref<768xf32, #tpu.memory_space<vmem>>, vector<16xf32>,
          %mul3A_101 = arith.mulf %get3A_100, %get3A_40 : vector<16xf32>
          %mul3A_102 = arith.constant 16 : i32
          %mul3A_103 = arith.muli %scan3A_86, %mul3A_102 : i32
          %add3A_104 = arith.constant 512 : i32
          %add3A_105 = arith.addi %add3A_104, %mul3A_103 : i32
          %get3A_106 = arith.index_cast %add3A_105 : i32 to index
          %get3A_107 = tpu.vector_load %arg12[%get3A_106] {strides = array<i32>} : memref<768xf32, #tpu.memory_space<vmem>>, vector<16xf32>,
          %mul3A_108 = arith.mulf %get3A_107, %get3A_40 : vector<16xf32>
          %convert_element_type3A_109 = arith.fptosi %mul3A_94 : vector<16xf32> to vector<16xi32>
          %min3A = arith.minsi %convert_element_type3A_109, %sub3A_46 : vector<16xi32>
          %convert_element_type3A_110 = arith.fptosi %mul3A_101 : vector<16xf32> to vector<16xi32>
          %min3A_111 = arith.minsi %convert_element_type3A_110, %sub3A_46 : vector<16xi32>
          %convert_element_type3A_112 = arith.fptosi %mul3A_108 : vector<16xf32> to vector<16xi32>
          %min3A_113 = arith.minsi %convert_element_type3A_112, %sub3A_46 : vector<16xi32>
          %convert_element_type3A_114 = arith.sitofp %min3A : vector<16xi32> to vector<16xf32>
          %sub3A_115 = arith.subf %mul3A_94, %convert_element_type3A_114 : vector<16xf32>
          %jit3A = arith.constant 0.000000e+00 : f32
          %jit3A_116 = arith.constant 1.000000e+00 : f32
          %max3A = vector.broadcast %jit3A : f32 to vector<16xf32>
          %max3A_117 = arith.maximumf %max3A, %sub3A_115 : vector<16xf32>
          %min3A_118 = vector.broadcast %jit3A_116 : f32 to vector<16xf32>
          %min3A_119 = arith.minimumf %min3A_118, %max3A_117 : vector<16xf32>
          %convert_element_type3A_120 = arith.sitofp %min3A_111 : vector<16xi32> to vector<16xf32>
          %sub3A_121 = arith.subf %mul3A_101, %convert_element_type3A_120 : vector<16xf32>
          %jit3A_122 = arith.constant 0.000000e+00 : f32
          %jit3A_123 = arith.constant 1.000000e+00 : f32
          %max3A_124 = vector.broadcast %jit3A_122 : f32 to vector<16xf32>
          %max3A_125 = arith.maximumf %max3A_124, %sub3A_121 : vector<16xf32>
          %min3A_126 = vector.broadcast %jit3A_123 : f32 to vector<16xf32>
          %min3A_127 = arith.minimumf %min3A_126, %max3A_125 : vector<16xf32>
          %convert_element_type3A_128 = arith.sitofp %min3A_113 : vector<16xi32> to vector<16xf32>
          %sub3A_129 = arith.subf %mul3A_108, %convert_element_type3A_128 : vector<16xf32>
          %jit3A_130 = arith.constant 0.000000e+00 : f32
          %jit3A_131 = arith.constant 1.000000e+00 : f32
          %max3A_132 = vector.broadcast %jit3A_130 : f32 to vector<16xf32>
          %max3A_133 = arith.maximumf %max3A_132, %sub3A_129 : vector<16xf32>
          %min3A_134 = vector.broadcast %jit3A_131 : f32 to vector<16xf32>
          %min3A_135 = arith.minimumf %min3A_134, %max3A_133 : vector<16xf32>
          %mul3A_136 = arith.constant 16 : i32
          %mul3A_137 = arith.muli %scan3A_86, %mul3A_136 : i32
          %get3A_138 = arith.index_cast %mul3A_137 : i32 to index
          %get3A_139 = tpu.vector_load %arg13[%get3A_138] {strides = array<i32>} : memref<256xf32, #tpu.memory_space<vmem>>, vector<16xf32>,
          %sub3A_140 = arith.constant 1.000000e+00 : f32
          %sub3A_141 = vector.broadcast %sub3A_140 : f32 to vector<16xf32>
          %sub3A_142 = arith.subf %sub3A_141, %min3A_119 : vector<16xf32>
          %sub3A_143 = arith.constant 1.000000e+00 : f32
          %sub3A_144 = vector.broadcast %sub3A_143 : f32 to vector<16xf32>
          %sub3A_145 = arith.subf %sub3A_144, %min3A_127 : vector<16xf32>
          %sub3A_146 = arith.constant 1.000000e+00 : f32
          %sub3A_147 = vector.broadcast %sub3A_146 : f32 to vector<16xf32>
          %sub3A_148 = arith.subf %sub3A_147, %min3A_135 : vector<16xf32>
          %mul3A_149 = arith.mulf %sub3A_148, %get3A_139 : vector<16xf32>
          %mul3A_150 = arith.mulf %min3A_135, %get3A_139 : vector<16xf32>
          %mul3A_151 = arith.muli %min3A_111, %broadcast_in_dim3A_3 : vector<16xi32>
          %mul3A_152 = arith.muli %min3A_113, %broadcast_in_dim3A_5 : vector<16xi32>
          %add3A_153 = arith.constant 1 : i32
          %add3A_154 = vector.broadcast %add3A_153 : i32 to vector<16xi32>
          %add3A_155 = arith.addi %min3A, %add3A_154 : vector<16xi32>
          %add3A_156 = arith.addi %mul3A_151, %broadcast_in_dim3A_3 : vector<16xi32>
          %add3A_157 = arith.addi %mul3A_152, %broadcast_in_dim3A_5 : vector<16xi32>
          %mul3A_158 = arith.muli %min3A, %mul3A_50 : vector<16xi32>
          %mul3A_159 = arith.muli %min3A_111, %add3A_49 : vector<16xi32>
          %add3A_160 = arith.addi %mul3A_158, %mul3A_50 : vector<16xi32>
          %add3A_161 = arith.addi %mul3A_159, %add3A_49 : vector<16xi32>
          %add3A_162 = arith.constant 1 : i32
          %add3A_163 = vector.broadcast %add3A_162 : i32 to vector<16xi32>
          %add3A_164 = arith.addi %min3A_113, %add3A_163 : vector<16xi32>
          %xor3A = arith.xori %min3A, %mul3A_151 : vector<16xi32>
          %xor3A_165 = arith.xori %xor3A, %mul3A_152 : vector<16xi32>
          %and3A = arith.andi %xor3A_165, %broadcast_in_dim3A_7 : vector<16xi32>
          %add3A_166 = arith.addi %mul3A_158, %mul3A_159 : vector<16xi32>
          %add3A_167 = arith.addi %add3A_166, %min3A_113 : vector<16xi32>
          %select_n3A = arith.select %lt3A_53, %add3A_167, %and3A : vector<16xi1>, vector<16xi32>
          %add3A_168 = arith.addi %select_n3A, %get3A_44 : vector<16xi32>
          %mul3A_169 = arith.mulf %sub3A_142, %sub3A_145 : vector<16xf32>
          %mul3A_170 = arith.mulf %mul3A_169, %mul3A_149 : vector<16xf32>
          %mul3A_171 = arith.constant 16 : i32
          %mul3A_172 = arith.muli %scan3A_86, %mul3A_171 : i32
          %add3A_173 = arith.constant 0 : i32
          %add3A_174 = arith.addi %add3A_173, %mul3A_172 : i32
          %shift_right_logical3A = arith.constant 3 : i32
          %shift_right_logical3A_175 = vector.broadcast %shift_right_logical3A : i32 to vector<16xi32>
          %shift_right_logical3A_176 = arith.shrui %add3A_168, %shift_right_logical3A_175 : vector<16xi32>
          %swap3A = arith.index_cast %add3A_174 : i32 to index
          %swap3A_177 = tpu.vector_load %arg14[%swap3A] {strides = array<i32>} : memref<2048xi32, #tpu.memory_space<vmem>>, vector<16xi32>,
          tpu.vector_store %arg14[%swap3A], %shift_right_logical3A_176 {strides = array<i32>} : memref<2048xi32, #tpu.memory_space<vmem>>, vector<16xi32>,
          %and3A_178 = arith.constant 7 : i32
          %and3A_179 = vector.broadcast %and3A_178 : i32 to vector<16xi32>
          %and3A_180 = arith.andi %add3A_168, %and3A_179 : vector<16xi32>
          %mul3A_181 = arith.constant 2 : i32
          %mul3A_182 = vector.broadcast %mul3A_181 : i32 to vector<16xi32>
          %mul3A_183 = arith.muli %and3A_180, %mul3A_182 : vector<16xi32>
          %swap3A_184 = arith.index_cast %add3A_174 : i32 to index
          %swap3A_185 = tpu.vector_load %arg15[%swap3A_184] {strides = array<i32>} : memref<2048xi32, #tpu.memory_space<vmem>>, vector<16xi32>,
          tpu.vector_store %arg15[%swap3A_184], %mul3A_183 {strides = array<i32>} : memref<2048xi32, #tpu.memory_space<vmem>>, vector<16xi32>,
          %swap3A_186 = arith.index_cast %add3A_174 : i32 to index
          %swap3A_187 = tpu.vector_load %arg16[%swap3A_186] {strides = array<i32>} : memref<2048xf32, #tpu.memory_space<vmem>>, vector<16xf32>,
          tpu.vector_store %arg16[%swap3A_186], %mul3A_170 {strides = array<i32>} : memref<2048xf32, #tpu.memory_space<vmem>>, vector<16xf32>,
          %xor3A_188 = arith.xori %add3A_155, %mul3A_151 : vector<16xi32>
          %xor3A_189 = arith.xori %xor3A_188, %mul3A_152 : vector<16xi32>
          %and3A_190 = arith.andi %xor3A_189, %broadcast_in_dim3A_7 : vector<16xi32>
          %add3A_191 = arith.addi %add3A_160, %mul3A_159 : vector<16xi32>
          %add3A_192 = arith.addi %add3A_191, %min3A_113 : vector<16xi32>
          %select_n3A_193 = arith.select %lt3A_53, %add3A_192, %and3A_190 : vector<16xi1>, vector<16xi32>
          %add3A_194 = arith.addi %select_n3A_193, %get3A_44 : vector<16xi32>
          %mul3A_195 = arith.mulf %min3A_119, %sub3A_145 : vector<16xf32>
          %mul3A_196 = arith.mulf %mul3A_195, %mul3A_149 : vector<16xf32>
          %mul3A_197 = arith.constant 16 : i32
          %mul3A_198 = arith.muli %scan3A_86, %mul3A_197 : i32
          %add3A_199 = arith.constant 256 : i32
          %add3A_200 = arith.addi %add3A_199, %mul3A_198 : i32
          %shift_right_logical3A_201 = arith.constant 3 : i32
          %shift_right_logical3A_202 = vector.broadcast %shift_right_logical3A_201 : i32 to vector<16xi32>
          %shift_right_logical3A_203 = arith.shrui %add3A_194, %shift_right_logical3A_202 : vector<16xi32>
          %swap3A_204 = arith.index_cast %add3A_200 : i32 to index
          %swap3A_205 = tpu.vector_load %arg14[%swap3A_204] {strides = array<i32>} : memref<2048xi32, #tpu.memory_space<vmem>>, vector<16xi32>,
          tpu.vector_store %arg14[%swap3A_204], %shift_right_logical3A_203 {strides = array<i32>} : memref<2048xi32, #tpu.memory_space<vmem>>, vector<16xi32>,
          %and3A_206 = arith.constant 7 : i32
          %and3A_207 = vector.broadcast %and3A_206 : i32 to vector<16xi32>
          %and3A_208 = arith.andi %add3A_194, %and3A_207 : vector<16xi32>
          %mul3A_209 = arith.constant 2 : i32
          %mul3A_210 = vector.broadcast %mul3A_209 : i32 to vector<16xi32>
          %mul3A_211 = arith.muli %and3A_208, %mul3A_210 : vector<16xi32>
          %swap3A_212 = arith.index_cast %add3A_200 : i32 to index
          %swap3A_213 = tpu.vector_load %arg15[%swap3A_212] {strides = array<i32>} : memref<2048xi32, #tpu.memory_space<vmem>>, vector<16xi32>,
          tpu.vector_store %arg15[%swap3A_212], %mul3A_211 {strides = array<i32>} : memref<2048xi32, #tpu.memory_space<vmem>>, vector<16xi32>,
          %swap3A_214 = arith.index_cast %add3A_200 : i32 to index
          %swap3A_215 = tpu.vector_load %arg16[%swap3A_214] {strides = array<i32>} : memref<2048xf32, #tpu.memory_space<vmem>>, vector<16xf32>,
          tpu.vector_store %arg16[%swap3A_214], %mul3A_196 {strides = array<i32>} : memref<2048xf32, #tpu.memory_space<vmem>>, vector<16xf32>,
          %xor3A_216 = arith.xori %min3A, %add3A_156 : vector<16xi32>
          %xor3A_217 = arith.xori %xor3A_216, %mul3A_152 : vector<16xi32>
          %and3A_218 = arith.andi %xor3A_217, %broadcast_in_dim3A_7 : vector<16xi32>
          %add3A_219 = arith.addi %mul3A_158, %add3A_161 : vector<16xi32>
          %add3A_220 = arith.addi %add3A_219, %min3A_113 : vector<16xi32>
          %select_n3A_221 = arith.select %lt3A_53, %add3A_220, %and3A_218 : vector<16xi1>, vector<16xi32>
          %add3A_222 = arith.addi %select_n3A_221, %get3A_44 : vector<16xi32>
          %mul3A_223 = arith.mulf %sub3A_142, %min3A_127 : vector<16xf32>
          %mul3A_224 = arith.mulf %mul3A_223, %mul3A_149 : vector<16xf32>
          %mul3A_225 = arith.constant 16 : i32
          %mul3A_226 = arith.muli %scan3A_86, %mul3A_225 : i32
          %add3A_227 = arith.constant 512 : i32
          %add3A_228 = arith.addi %add3A_227, %mul3A_226 : i32
          %shift_right_logical3A_229 = arith.constant 3 : i32
          %shift_right_logical3A_230 = vector.broadcast %shift_right_logical3A_229 : i32 to vector<16xi32>
          %shift_right_logical3A_231 = arith.shrui %add3A_222, %shift_right_logical3A_230 : vector<16xi32>
          %swap3A_232 = arith.index_cast %add3A_228 : i32 to index
          %swap3A_233 = tpu.vector_load %arg14[%swap3A_232] {strides = array<i32>} : memref<2048xi32, #tpu.memory_space<vmem>>, vector<16xi32>,
          tpu.vector_store %arg14[%swap3A_232], %shift_right_logical3A_231 {strides = array<i32>} : memref<2048xi32, #tpu.memory_space<vmem>>, vector<16xi32>,
          %and3A_234 = arith.constant 7 : i32
          %and3A_235 = vector.broadcast %and3A_234 : i32 to vector<16xi32>
          %and3A_236 = arith.andi %add3A_222, %and3A_235 : vector<16xi32>
          %mul3A_237 = arith.constant 2 : i32
          %mul3A_238 = vector.broadcast %mul3A_237 : i32 to vector<16xi32>
          %mul3A_239 = arith.muli %and3A_236, %mul3A_238 : vector<16xi32>
          %swap3A_240 = arith.index_cast %add3A_228 : i32 to index
          %swap3A_241 = tpu.vector_load %arg15[%swap3A_240] {strides = array<i32>} : memref<2048xi32, #tpu.memory_space<vmem>>, vector<16xi32>,
          tpu.vector_store %arg15[%swap3A_240], %mul3A_239 {strides = array<i32>} : memref<2048xi32, #tpu.memory_space<vmem>>, vector<16xi32>,
          %swap3A_242 = arith.index_cast %add3A_228 : i32 to index
          %swap3A_243 = tpu.vector_load %arg16[%swap3A_242] {strides = array<i32>} : memref<2048xf32, #tpu.memory_space<vmem>>, vector<16xf32>,
          tpu.vector_store %arg16[%swap3A_242], %mul3A_224 {strides = array<i32>} : memref<2048xf32, #tpu.memory_space<vmem>>, vector<16xf32>,
          %xor3A_244 = arith.xori %add3A_155, %add3A_156 : vector<16xi32>
          %xor3A_245 = arith.xori %xor3A_244, %mul3A_152 : vector<16xi32>
          %and3A_246 = arith.andi %xor3A_245, %broadcast_in_dim3A_7 : vector<16xi32>
          %add3A_247 = arith.addi %add3A_160, %add3A_161 : vector<16xi32>
          %add3A_248 = arith.addi %add3A_247, %min3A_113 : vector<16xi32>
          %select_n3A_249 = arith.select %lt3A_53, %add3A_248, %and3A_246 : vector<16xi1>, vector<16xi32>
          %add3A_250 = arith.addi %select_n3A_249, %get3A_44 : vector<16xi32>
          %mul3A_251 = arith.mulf %min3A_119, %min3A_127 : vector<16xf32>
          %mul3A_252 = arith.mulf %mul3A_251, %mul3A_149 : vector<16xf32>
          %mul3A_253 = arith.constant 16 : i32
          %mul3A_254 = arith.muli %scan3A_86, %mul3A_253 : i32
          %add3A_255 = arith.constant 768 : i32
          %add3A_256 = arith.addi %add3A_255, %mul3A_254 : i32
          %shift_right_logical3A_257 = arith.constant 3 : i32
          %shift_right_logical3A_258 = vector.broadcast %shift_right_logical3A_257 : i32 to vector<16xi32>
          %shift_right_logical3A_259 = arith.shrui %add3A_250, %shift_right_logical3A_258 : vector<16xi32>
          %swap3A_260 = arith.index_cast %add3A_256 : i32 to index
          %swap3A_261 = tpu.vector_load %arg14[%swap3A_260] {strides = array<i32>} : memref<2048xi32, #tpu.memory_space<vmem>>, vector<16xi32>,
          tpu.vector_store %arg14[%swap3A_260], %shift_right_logical3A_259 {strides = array<i32>} : memref<2048xi32, #tpu.memory_space<vmem>>, vector<16xi32>,
          %and3A_262 = arith.constant 7 : i32
          %and3A_263 = vector.broadcast %and3A_262 : i32 to vector<16xi32>
          %and3A_264 = arith.andi %add3A_250, %and3A_263 : vector<16xi32>
          %mul3A_265 = arith.constant 2 : i32
          %mul3A_266 = vector.broadcast %mul3A_265 : i32 to vector<16xi32>
          %mul3A_267 = arith.muli %and3A_264, %mul3A_266 : vector<16xi32>
          %swap3A_268 = arith.index_cast %add3A_256 : i32 to index
          %swap3A_269 = tpu.vector_load %arg15[%swap3A_268] {strides = array<i32>} : memref<2048xi32, #tpu.memory_space<vmem>>, vector<16xi32>,
          tpu.vector_store %arg15[%swap3A_268], %mul3A_267 {strides = array<i32>} : memref<2048xi32, #tpu.memory_space<vmem>>, vector<16xi32>,
          %swap3A_270 = arith.index_cast %add3A_256 : i32 to index
          %swap3A_271 = tpu.vector_load %arg16[%swap3A_270] {strides = array<i32>} : memref<2048xf32, #tpu.memory_space<vmem>>, vector<16xf32>,
          tpu.vector_store %arg16[%swap3A_270], %mul3A_252 {strides = array<i32>} : memref<2048xf32, #tpu.memory_space<vmem>>, vector<16xf32>,
          %xor3A_272 = arith.xori %min3A, %mul3A_151 : vector<16xi32>
          %xor3A_273 = arith.xori %xor3A_272, %add3A_157 : vector<16xi32>
          %and3A_274 = arith.andi %xor3A_273, %broadcast_in_dim3A_7 : vector<16xi32>
          %add3A_275 = arith.addi %mul3A_158, %mul3A_159 : vector<16xi32>
          %add3A_276 = arith.addi %add3A_275, %add3A_164 : vector<16xi32>
          %select_n3A_277 = arith.select %lt3A_53, %add3A_276, %and3A_274 : vector<16xi1>, vector<16xi32>
          %add3A_278 = arith.addi %select_n3A_277, %get3A_44 : vector<16xi32>
          %mul3A_279 = arith.mulf %sub3A_142, %sub3A_145 : vector<16xf32>
          %mul3A_280 = arith.mulf %mul3A_279, %mul3A_150 : vector<16xf32>
          %mul3A_281 = arith.constant 16 : i32
          %mul3A_282 = arith.muli %scan3A_86, %mul3A_281 : i32
          %add3A_283 = arith.constant 1024 : i32
          %add3A_284 = arith.addi %add3A_283, %mul3A_282 : i32
          %shift_right_logical3A_285 = arith.constant 3 : i32
          %shift_right_logical3A_286 = vector.broadcast %shift_right_logical3A_285 : i32 to vector<16xi32>
          %shift_right_logical3A_287 = arith.shrui %add3A_278, %shift_right_logical3A_286 : vector<16xi32>
          %swap3A_288 = arith.index_cast %add3A_284 : i32 to index
          %swap3A_289 = tpu.vector_load %arg14[%swap3A_288] {strides = array<i32>} : memref<2048xi32, #tpu.memory_space<vmem>>, vector<16xi32>,
          tpu.vector_store %arg14[%swap3A_288], %shift_right_logical3A_287 {strides = array<i32>} : memref<2048xi32, #tpu.memory_space<vmem>>, vector<16xi32>,
          %and3A_290 = arith.constant 7 : i32
          %and3A_291 = vector.broadcast %and3A_290 : i32 to vector<16xi32>
          %and3A_292 = arith.andi %add3A_278, %and3A_291 : vector<16xi32>
          %mul3A_293 = arith.constant 2 : i32
          %mul3A_294 = vector.broadcast %mul3A_293 : i32 to vector<16xi32>
          %mul3A_295 = arith.muli %and3A_292, %mul3A_294 : vector<16xi32>
          %swap3A_296 = arith.index_cast %add3A_284 : i32 to index
          %swap3A_297 = tpu.vector_load %arg15[%swap3A_296] {strides = array<i32>} : memref<2048xi32, #tpu.memory_space<vmem>>, vector<16xi32>,
          tpu.vector_store %arg15[%swap3A_296], %mul3A_295 {strides = array<i32>} : memref<2048xi32, #tpu.memory_space<vmem>>, vector<16xi32>,
          %swap3A_298 = arith.index_cast %add3A_284 : i32 to index
          %swap3A_299 = tpu.vector_load %arg16[%swap3A_298] {strides = array<i32>} : memref<2048xf32, #tpu.memory_space<vmem>>, vector<16xf32>,
          tpu.vector_store %arg16[%swap3A_298], %mul3A_280 {strides = array<i32>} : memref<2048xf32, #tpu.memory_space<vmem>>, vector<16xf32>,
          %xor3A_300 = arith.xori %add3A_155, %mul3A_151 : vector<16xi32>
          %xor3A_301 = arith.xori %xor3A_300, %add3A_157 : vector<16xi32>
          %and3A_302 = arith.andi %xor3A_301, %broadcast_in_dim3A_7 : vector<16xi32>
          %add3A_303 = arith.addi %add3A_160, %mul3A_159 : vector<16xi32>
          %add3A_304 = arith.addi %add3A_303, %add3A_164 : vector<16xi32>
          %select_n3A_305 = arith.select %lt3A_53, %add3A_304, %and3A_302 : vector<16xi1>, vector<16xi32>
          %add3A_306 = arith.addi %select_n3A_305, %get3A_44 : vector<16xi32>
          %mul3A_307 = arith.mulf %min3A_119, %sub3A_145 : vector<16xf32>
          %mul3A_308 = arith.mulf %mul3A_307, %mul3A_150 : vector<16xf32>
          %mul3A_309 = arith.constant 16 : i32
          %mul3A_310 = arith.muli %scan3A_86, %mul3A_309 : i32
          %add3A_311 = arith.constant 1280 : i32
          %add3A_312 = arith.addi %add3A_311, %mul3A_310 : i32
          %shift_right_logical3A_313 = arith.constant 3 : i32
          %shift_right_logical3A_314 = vector.broadcast %shift_right_logical3A_313 : i32 to vector<16xi32>
          %shift_right_logical3A_315 = arith.shrui %add3A_306, %shift_right_logical3A_314 : vector<16xi32>
          %swap3A_316 = arith.index_cast %add3A_312 : i32 to index
          %swap3A_317 = tpu.vector_load %arg14[%swap3A_316] {strides = array<i32>} : memref<2048xi32, #tpu.memory_space<vmem>>, vector<16xi32>,
          tpu.vector_store %arg14[%swap3A_316], %shift_right_logical3A_315 {strides = array<i32>} : memref<2048xi32, #tpu.memory_space<vmem>>, vector<16xi32>,
          %and3A_318 = arith.constant 7 : i32
          %and3A_319 = vector.broadcast %and3A_318 : i32 to vector<16xi32>
          %and3A_320 = arith.andi %add3A_306, %and3A_319 : vector<16xi32>
          %mul3A_321 = arith.constant 2 : i32
          %mul3A_322 = vector.broadcast %mul3A_321 : i32 to vector<16xi32>
          %mul3A_323 = arith.muli %and3A_320, %mul3A_322 : vector<16xi32>
          %swap3A_324 = arith.index_cast %add3A_312 : i32 to index
          %swap3A_325 = tpu.vector_load %arg15[%swap3A_324] {strides = array<i32>} : memref<2048xi32, #tpu.memory_space<vmem>>, vector<16xi32>,
          tpu.vector_store %arg15[%swap3A_324], %mul3A_323 {strides = array<i32>} : memref<2048xi32, #tpu.memory_space<vmem>>, vector<16xi32>,
          %swap3A_326 = arith.index_cast %add3A_312 : i32 to index
          %swap3A_327 = tpu.vector_load %arg16[%swap3A_326] {strides = array<i32>} : memref<2048xf32, #tpu.memory_space<vmem>>, vector<16xf32>,
          tpu.vector_store %arg16[%swap3A_326], %mul3A_308 {strides = array<i32>} : memref<2048xf32, #tpu.memory_space<vmem>>, vector<16xf32>,
          %xor3A_328 = arith.xori %min3A, %add3A_156 : vector<16xi32>
          %xor3A_329 = arith.xori %xor3A_328, %add3A_157 : vector<16xi32>
          %and3A_330 = arith.andi %xor3A_329, %broadcast_in_dim3A_7 : vector<16xi32>
          %add3A_331 = arith.addi %mul3A_158, %add3A_161 : vector<16xi32>
          %add3A_332 = arith.addi %add3A_331, %add3A_164 : vector<16xi32>
          %select_n3A_333 = arith.select %lt3A_53, %add3A_332, %and3A_330 : vector<16xi1>, vector<16xi32>
          %add3A_334 = arith.addi %select_n3A_333, %get3A_44 : vector<16xi32>
          %mul3A_335 = arith.mulf %sub3A_142, %min3A_127 : vector<16xf32>
          %mul3A_336 = arith.mulf %mul3A_335, %mul3A_150 : vector<16xf32>
          %mul3A_337 = arith.constant 16 : i32
          %mul3A_338 = arith.muli %scan3A_86, %mul3A_337 : i32
          %add3A_339 = arith.constant 1536 : i32
          %add3A_340 = arith.addi %add3A_339, %mul3A_338 : i32
          %shift_right_logical3A_341 = arith.constant 3 : i32
          %shift_right_logical3A_342 = vector.broadcast %shift_right_logical3A_341 : i32 to vector<16xi32>
          %shift_right_logical3A_343 = arith.shrui %add3A_334, %shift_right_logical3A_342 : vector<16xi32>
          %swap3A_344 = arith.index_cast %add3A_340 : i32 to index
          %swap3A_345 = tpu.vector_load %arg14[%swap3A_344] {strides = array<i32>} : memref<2048xi32, #tpu.memory_space<vmem>>, vector<16xi32>,
          tpu.vector_store %arg14[%swap3A_344], %shift_right_logical3A_343 {strides = array<i32>} : memref<2048xi32, #tpu.memory_space<vmem>>, vector<16xi32>,
          %and3A_346 = arith.constant 7 : i32
          %and3A_347 = vector.broadcast %and3A_346 : i32 to vector<16xi32>
          %and3A_348 = arith.andi %add3A_334, %and3A_347 : vector<16xi32>
          %mul3A_349 = arith.constant 2 : i32
          %mul3A_350 = vector.broadcast %mul3A_349 : i32 to vector<16xi32>
          %mul3A_351 = arith.muli %and3A_348, %mul3A_350 : vector<16xi32>
          %swap3A_352 = arith.index_cast %add3A_340 : i32 to index
          %swap3A_353 = tpu.vector_load %arg15[%swap3A_352] {strides = array<i32>} : memref<2048xi32, #tpu.memory_space<vmem>>, vector<16xi32>,
          tpu.vector_store %arg15[%swap3A_352], %mul3A_351 {strides = array<i32>} : memref<2048xi32, #tpu.memory_space<vmem>>, vector<16xi32>,
          %swap3A_354 = arith.index_cast %add3A_340 : i32 to index
          %swap3A_355 = tpu.vector_load %arg16[%swap3A_354] {strides = array<i32>} : memref<2048xf32, #tpu.memory_space<vmem>>, vector<16xf32>,
          tpu.vector_store %arg16[%swap3A_354], %mul3A_336 {strides = array<i32>} : memref<2048xf32, #tpu.memory_space<vmem>>, vector<16xf32>,
          %xor3A_356 = arith.xori %add3A_155, %add3A_156 : vector<16xi32>
          %xor3A_357 = arith.xori %xor3A_356, %add3A_157 : vector<16xi32>
          %and3A_358 = arith.andi %xor3A_357, %broadcast_in_dim3A_7 : vector<16xi32>
          %add3A_359 = arith.addi %add3A_160, %add3A_161 : vector<16xi32>
          %add3A_360 = arith.addi %add3A_359, %add3A_164 : vector<16xi32>
          %select_n3A_361 = arith.select %lt3A_53, %add3A_360, %and3A_358 : vector<16xi1>, vector<16xi32>
          %add3A_362 = arith.addi %select_n3A_361, %get3A_44 : vector<16xi32>
          %mul3A_363 = arith.mulf %min3A_119, %min3A_127 : vector<16xf32>
          %mul3A_364 = arith.mulf %mul3A_363, %mul3A_150 : vector<16xf32>
          %mul3A_365 = arith.constant 16 : i32
          %mul3A_366 = arith.muli %scan3A_86, %mul3A_365 : i32
          %add3A_367 = arith.constant 1792 : i32
          %add3A_368 = arith.addi %add3A_367, %mul3A_366 : i32
          %shift_right_logical3A_369 = arith.constant 3 : i32
          %shift_right_logical3A_370 = vector.broadcast %shift_right_logical3A_369 : i32 to vector<16xi32>
          %shift_right_logical3A_371 = arith.shrui %add3A_362, %shift_right_logical3A_370 : vector<16xi32>
          %swap3A_372 = arith.index_cast %add3A_368 : i32 to index
          %swap3A_373 = tpu.vector_load %arg14[%swap3A_372] {strides = array<i32>} : memref<2048xi32, #tpu.memory_space<vmem>>, vector<16xi32>,
          tpu.vector_store %arg14[%swap3A_372], %shift_right_logical3A_371 {strides = array<i32>} : memref<2048xi32, #tpu.memory_space<vmem>>, vector<16xi32>,
          %and3A_374 = arith.constant 7 : i32
          %and3A_375 = vector.broadcast %and3A_374 : i32 to vector<16xi32>
          %and3A_376 = arith.andi %add3A_362, %and3A_375 : vector<16xi32>
          %mul3A_377 = arith.constant 2 : i32
          %mul3A_378 = vector.broadcast %mul3A_377 : i32 to vector<16xi32>
          %mul3A_379 = arith.muli %and3A_376, %mul3A_378 : vector<16xi32>
          %swap3A_380 = arith.index_cast %add3A_368 : i32 to index
          %swap3A_381 = tpu.vector_load %arg15[%swap3A_380] {strides = array<i32>} : memref<2048xi32, #tpu.memory_space<vmem>>, vector<16xi32>,
          tpu.vector_store %arg15[%swap3A_380], %mul3A_379 {strides = array<i32>} : memref<2048xi32, #tpu.memory_space<vmem>>, vector<16xi32>,
          %swap3A_382 = arith.index_cast %add3A_368 : i32 to index
          %swap3A_383 = tpu.vector_load %arg16[%swap3A_382] {strides = array<i32>} : memref<2048xf32, #tpu.memory_space<vmem>>, vector<16xf32>,
          tpu.vector_store %arg16[%swap3A_382], %mul3A_364 {strides = array<i32>} : memref<2048xf32, #tpu.memory_space<vmem>>, vector<16xf32>,
          %scan3A_384 = arith.constant 0 : i32
          scf.yield %scan3A_384 : i32
        }
        %scan3A_60 = arith.constant 16 : i32
        %scan3A_61 = arith.constant 0 : i32
        %scan3A_62 = arith.constant 0 : i32
        %scan3A_63 = arith.constant 16 : i32
        %scan3A_64 = arith.addi %scan3A_62, %scan3A_63 : i32
        %scan3A_65 = arith.constant 1 : i32
        %scan3A_66 = scf.for %scan3A_86 = %scan3A_62 to %scan3A_64 step %scan3A_65 iter_args(%scan3A_87 = %scan3A_61) -> (i32)  : i32 {
          %mul3A_88 = arith.constant 128 : i32
          %mul3A_89 = arith.muli %scan3A_86, %mul3A_88 : i32
          %mul3A_90 = arith.constant 128 : i32
          %mul3A_91 = arith.muli %scan3A_86, %mul3A_90 : i32
          %dma_start3A = arith.constant 0 : i32
          %dma_start3A_92 = tpu.memref_slice %arg17[%mul3A_91, %dma_start3A] : memref<2048x16xf32, #tpu.memory_space<vmem>> -> memref<128x16xf32, #tpu.memory_space<vmem>>
          %dma_start3A_93 = tpu.memref_slice %arg14[%mul3A_89] : memref<2048xi32, #tpu.memory_space<vmem>> -> memref<128xi32, #tpu.memory_space<vmem>>
          %dma_start3A_94 = arith.constant 0 : i32
          %dma_start3A_95 = arith.constant 0 : i32
          %dma_start3A_96 = tpu.memref_slice %arg3[%dma_start3A_94, %dma_start3A_95] : memref<762366x16xf32, #tpu.memory_space<hbm>> -> memref<762366x16xf32, #tpu.memory_space<hbm>>
          tpu.enqueue_indirect_dma source(%dma_start3A_96 : memref<762366x16xf32, #tpu.memory_space<hbm>>) target(%dma_start3A_92 : memref<128x16xf32, #tpu.memory_space<vmem>>) offsets(%dma_start3A_93 : memref<128xi32, #tpu.memory_space<vmem>>) semaphore(%arg19 : memref<!tpu.dma_semaphore, #tpu.memory_space<semaphore_mem>>)
          %scan3A_97 = arith.constant 0 : i32
          scf.yield %scan3A_97 : i32
        }
        %scan3A_67 = arith.constant 16 : i32
        %scan3A_68 = arith.constant 0 : i32
        %scan3A_69 = arith.constant 0 : i32
        %scan3A_70 = arith.constant 16 : i32
        %scan3A_71 = arith.addi %scan3A_69, %scan3A_70 : i32
        %scan3A_72 = arith.constant 1 : i32
        %scan3A_73 = scf.for %scan3A_86 = %scan3A_69 to %scan3A_71 step %scan3A_72 iter_args(%scan3A_87 = %scan3A_68) -> (i32)  : i32 {
          %mul3A_88 = arith.constant 128 : i32
          %mul3A_89 = arith.muli %scan3A_86, %mul3A_88 : i32
          %mul3A_90 = arith.constant 128 : i32
          %mul3A_91 = arith.muli %scan3A_86, %mul3A_90 : i32
          %dma_wait3A = arith.constant 0 : i32
          %dma_wait3A_92 = tpu.memref_slice %arg17[%mul3A_91, %dma_wait3A] : memref<2048x16xf32, #tpu.memory_space<vmem>> -> memref<128x16xf32, #tpu.memory_space<vmem>>
          %dma_wait3A_93 = tpu.memref_slice %arg14[%mul3A_89] : memref<2048xi32, #tpu.memory_space<vmem>> -> memref<128xi32, #tpu.memory_space<vmem>>
          %dma_wait3A_94 = arith.constant 0 : i32
          %dma_wait3A_95 = arith.constant 0 : i32
          %dma_wait3A_96 = tpu.memref_slice %arg3[%dma_wait3A_94, %dma_wait3A_95] : memref<762366x16xf32, #tpu.memory_space<hbm>> -> memref<762366x16xf32, #tpu.memory_space<hbm>>
          tpu.wait_indirect_dma semaphore(%arg19 : memref<!tpu.dma_semaphore, #tpu.memory_space<semaphore_mem>>) src(%dma_wait3A_96 : memref<762366x16xf32, #tpu.memory_space<hbm>>) dst(%dma_wait3A_92 : memref<128x16xf32, #tpu.memory_space<vmem>>)
          %scan3A_97 = arith.constant 0 : i32
          scf.yield %scan3A_97 : i32
        }
        %scan3A_74 = arith.constant 16 : i32
        %mul3A_75 = arith.constant 2 : i32
        %mul3A_76 = arith.muli %scan3A_36, %mul3A_75 : i32
        %broadcast_in_dim3A_77 = vector.broadcast %mul3A_76 : i32 to vector<16xi32>
        %scan3A_78 = arith.constant 0 : i32
        %scan3A_79 = arith.constant 0 : i32
        %scan3A_80 = arith.constant 16 : i32
        %scan3A_81 = arith.addi %scan3A_79, %scan3A_80 : i32
        %scan3A_82 = arith.constant 1 : i32
        %scan3A_83 = scf.for %scan3A_86 = %scan3A_79 to %scan3A_81 step %scan3A_82 iter_args(%scan3A_87 = %scan3A_78) -> (i32)  : i32 {
          %broadcast_in_dim3A_88 = arith.constant 0.000000e+00 : f32
          %broadcast_in_dim3A_89 = vector.broadcast %broadcast_in_dim3A_88 : f32 to vector<16xf32>
          %broadcast_in_dim3A_90 = arith.constant 0.000000e+00 : f32
          %broadcast_in_dim3A_91 = vector.broadcast %broadcast_in_dim3A_90 : f32 to vector<16xf32>
          %mul3A_92 = arith.constant 16 : i32
          %mul3A_93 = arith.muli %scan3A_86, %mul3A_92 : i32
          %add3A_94 = arith.constant 0 : i32
          %add3A_95 = arith.addi %add3A_94, %mul3A_93 : i32
          %get3A_96 = arith.index_cast %add3A_95 : i32 to index
          %get3A_97 = tpu.vector_load %arg16[%get3A_96] {strides = array<i32>} : memref<2048xf32, #tpu.memory_space<vmem>>, vector<16xf32>,
          %get3A_98 = arith.index_cast %add3A_95 : i32 to index
          %get3A_99 = tpu.vector_load %arg15[%get3A_98] {strides = array<i32>} : memref<2048xi32, #tpu.memory_space<vmem>>, vector<16xi32>,
          %add3A_100 = vector.broadcast %add3A_95 : i32 to vector<16xi32>
          %add3A_101 = arith.addi %iota3A, %add3A_100 : vector<16xi32>
          %gather3A = tpu.vector_load_idx %arg17[%add3A_101, %get3A_99] : memref<2048x16xf32, #tpu.memory_space<vmem>>[vector<16xi32>, vector<16xi32>], vector<16xf32>,
          %add3A_102 = arith.constant 1 : i32
          %add3A_103 = vector.broadcast %add3A_102 : i32 to vector<16xi32>
          %add3A_104 = arith.addi %get3A_99, %add3A_103 : vector<16xi32>
          %gather3A_105 = tpu.vector_load_idx %arg17[%add3A_101, %add3A_104] : memref<2048x16xf32, #tpu.memory_space<vmem>>[vector<16xi32>, vector<16xi32>], vector<16xf32>,
          %mul3A_106 = arith.mulf %get3A_97, %gather3A : vector<16xf32>
          %add3A_107 = arith.addf %broadcast_in_dim3A_89, %mul3A_106 : vector<16xf32>
          %mul3A_108 = arith.mulf %get3A_97, %gather3A_105 : vector<16xf32>
          %add3A_109 = arith.addf %broadcast_in_dim3A_91, %mul3A_108 : vector<16xf32>
          %mul3A_110 = arith.constant 16 : i32
          %mul3A_111 = arith.muli %scan3A_86, %mul3A_110 : i32
          %add3A_112 = arith.constant 256 : i32
          %add3A_113 = arith.addi %add3A_112, %mul3A_111 : i32
          %get3A_114 = arith.index_cast %add3A_113 : i32 to index
          %get3A_115 = tpu.vector_load %arg16[%get3A_114] {strides = array<i32>} : memref<2048xf32, #tpu.memory_space<vmem>>, vector<16xf32>,
          %get3A_116 = arith.index_cast %add3A_113 : i32 to index
          %get3A_117 = tpu.vector_load %arg15[%get3A_116] {strides = array<i32>} : memref<2048xi32, #tpu.memory_space<vmem>>, vector<16xi32>,
          %add3A_118 = vector.broadcast %add3A_113 : i32 to vector<16xi32>
          %add3A_119 = arith.addi %iota3A, %add3A_118 : vector<16xi32>
          %gather3A_120 = tpu.vector_load_idx %arg17[%add3A_119, %get3A_117] : memref<2048x16xf32, #tpu.memory_space<vmem>>[vector<16xi32>, vector<16xi32>], vector<16xf32>,
          %add3A_121 = arith.constant 1 : i32
          %add3A_122 = vector.broadcast %add3A_121 : i32 to vector<16xi32>
          %add3A_123 = arith.addi %get3A_117, %add3A_122 : vector<16xi32>
          %gather3A_124 = tpu.vector_load_idx %arg17[%add3A_119, %add3A_123] : memref<2048x16xf32, #tpu.memory_space<vmem>>[vector<16xi32>, vector<16xi32>], vector<16xf32>,
          %mul3A_125 = arith.mulf %get3A_115, %gather3A_120 : vector<16xf32>
          %add3A_126 = arith.addf %add3A_107, %mul3A_125 : vector<16xf32>
          %mul3A_127 = arith.mulf %get3A_115, %gather3A_124 : vector<16xf32>
          %add3A_128 = arith.addf %add3A_109, %mul3A_127 : vector<16xf32>
          %mul3A_129 = arith.constant 16 : i32
          %mul3A_130 = arith.muli %scan3A_86, %mul3A_129 : i32
          %add3A_131 = arith.constant 512 : i32
          %add3A_132 = arith.addi %add3A_131, %mul3A_130 : i32
          %get3A_133 = arith.index_cast %add3A_132 : i32 to index
          %get3A_134 = tpu.vector_load %arg16[%get3A_133] {strides = array<i32>} : memref<2048xf32, #tpu.memory_space<vmem>>, vector<16xf32>,
          %get3A_135 = arith.index_cast %add3A_132 : i32 to index
          %get3A_136 = tpu.vector_load %arg15[%get3A_135] {strides = array<i32>} : memref<2048xi32, #tpu.memory_space<vmem>>, vector<16xi32>,
          %add3A_137 = vector.broadcast %add3A_132 : i32 to vector<16xi32>
          %add3A_138 = arith.addi %iota3A, %add3A_137 : vector<16xi32>
          %gather3A_139 = tpu.vector_load_idx %arg17[%add3A_138, %get3A_136] : memref<2048x16xf32, #tpu.memory_space<vmem>>[vector<16xi32>, vector<16xi32>], vector<16xf32>,
          %add3A_140 = arith.constant 1 : i32
          %add3A_141 = vector.broadcast %add3A_140 : i32 to vector<16xi32>
          %add3A_142 = arith.addi %get3A_136, %add3A_141 : vector<16xi32>
          %gather3A_143 = tpu.vector_load_idx %arg17[%add3A_138, %add3A_142] : memref<2048x16xf32, #tpu.memory_space<vmem>>[vector<16xi32>, vector<16xi32>], vector<16xf32>,
          %mul3A_144 = arith.mulf %get3A_134, %gather3A_139 : vector<16xf32>
          %add3A_145 = arith.addf %add3A_126, %mul3A_144 : vector<16xf32>
          %mul3A_146 = arith.mulf %get3A_134, %gather3A_143 : vector<16xf32>
          %add3A_147 = arith.addf %add3A_128, %mul3A_146 : vector<16xf32>
          %mul3A_148 = arith.constant 16 : i32
          %mul3A_149 = arith.muli %scan3A_86, %mul3A_148 : i32
          %add3A_150 = arith.constant 768 : i32
          %add3A_151 = arith.addi %add3A_150, %mul3A_149 : i32
          %get3A_152 = arith.index_cast %add3A_151 : i32 to index
          %get3A_153 = tpu.vector_load %arg16[%get3A_152] {strides = array<i32>} : memref<2048xf32, #tpu.memory_space<vmem>>, vector<16xf32>,
          %get3A_154 = arith.index_cast %add3A_151 : i32 to index
          %get3A_155 = tpu.vector_load %arg15[%get3A_154] {strides = array<i32>} : memref<2048xi32, #tpu.memory_space<vmem>>, vector<16xi32>,
          %add3A_156 = vector.broadcast %add3A_151 : i32 to vector<16xi32>
          %add3A_157 = arith.addi %iota3A, %add3A_156 : vector<16xi32>
          %gather3A_158 = tpu.vector_load_idx %arg17[%add3A_157, %get3A_155] : memref<2048x16xf32, #tpu.memory_space<vmem>>[vector<16xi32>, vector<16xi32>], vector<16xf32>,
          %add3A_159 = arith.constant 1 : i32
          %add3A_160 = vector.broadcast %add3A_159 : i32 to vector<16xi32>
          %add3A_161 = arith.addi %get3A_155, %add3A_160 : vector<16xi32>
          %gather3A_162 = tpu.vector_load_idx %arg17[%add3A_157, %add3A_161] : memref<2048x16xf32, #tpu.memory_space<vmem>>[vector<16xi32>, vector<16xi32>], vector<16xf32>,
          %mul3A_163 = arith.mulf %get3A_153, %gather3A_158 : vector<16xf32>
          %add3A_164 = arith.addf %add3A_145, %mul3A_163 : vector<16xf32>
          %mul3A_165 = arith.mulf %get3A_153, %gather3A_162 : vector<16xf32>
          %add3A_166 = arith.addf %add3A_147, %mul3A_165 : vector<16xf32>
          %mul3A_167 = arith.constant 16 : i32
          %mul3A_168 = arith.muli %scan3A_86, %mul3A_167 : i32
          %add3A_169 = arith.constant 1024 : i32
          %add3A_170 = arith.addi %add3A_169, %mul3A_168 : i32
          %get3A_171 = arith.index_cast %add3A_170 : i32 to index
          %get3A_172 = tpu.vector_load %arg16[%get3A_171] {strides = array<i32>} : memref<2048xf32, #tpu.memory_space<vmem>>, vector<16xf32>,
          %get3A_173 = arith.index_cast %add3A_170 : i32 to index
          %get3A_174 = tpu.vector_load %arg15[%get3A_173] {strides = array<i32>} : memref<2048xi32, #tpu.memory_space<vmem>>, vector<16xi32>,
          %add3A_175 = vector.broadcast %add3A_170 : i32 to vector<16xi32>
          %add3A_176 = arith.addi %iota3A, %add3A_175 : vector<16xi32>
          %gather3A_177 = tpu.vector_load_idx %arg17[%add3A_176, %get3A_174] : memref<2048x16xf32, #tpu.memory_space<vmem>>[vector<16xi32>, vector<16xi32>], vector<16xf32>,
          %add3A_178 = arith.constant 1 : i32
          %add3A_179 = vector.broadcast %add3A_178 : i32 to vector<16xi32>
          %add3A_180 = arith.addi %get3A_174, %add3A_179 : vector<16xi32>
          %gather3A_181 = tpu.vector_load_idx %arg17[%add3A_176, %add3A_180] : memref<2048x16xf32, #tpu.memory_space<vmem>>[vector<16xi32>, vector<16xi32>], vector<16xf32>,
          %mul3A_182 = arith.mulf %get3A_172, %gather3A_177 : vector<16xf32>
          %add3A_183 = arith.addf %add3A_164, %mul3A_182 : vector<16xf32>
          %mul3A_184 = arith.mulf %get3A_172, %gather3A_181 : vector<16xf32>
          %add3A_185 = arith.addf %add3A_166, %mul3A_184 : vector<16xf32>
          %mul3A_186 = arith.constant 16 : i32
          %mul3A_187 = arith.muli %scan3A_86, %mul3A_186 : i32
          %add3A_188 = arith.constant 1280 : i32
          %add3A_189 = arith.addi %add3A_188, %mul3A_187 : i32
          %get3A_190 = arith.index_cast %add3A_189 : i32 to index
          %get3A_191 = tpu.vector_load %arg16[%get3A_190] {strides = array<i32>} : memref<2048xf32, #tpu.memory_space<vmem>>, vector<16xf32>,
          %get3A_192 = arith.index_cast %add3A_189 : i32 to index
          %get3A_193 = tpu.vector_load %arg15[%get3A_192] {strides = array<i32>} : memref<2048xi32, #tpu.memory_space<vmem>>, vector<16xi32>,
          %add3A_194 = vector.broadcast %add3A_189 : i32 to vector<16xi32>
          %add3A_195 = arith.addi %iota3A, %add3A_194 : vector<16xi32>
          %gather3A_196 = tpu.vector_load_idx %arg17[%add3A_195, %get3A_193] : memref<2048x16xf32, #tpu.memory_space<vmem>>[vector<16xi32>, vector<16xi32>], vector<16xf32>,
          %add3A_197 = arith.constant 1 : i32
          %add3A_198 = vector.broadcast %add3A_197 : i32 to vector<16xi32>
          %add3A_199 = arith.addi %get3A_193, %add3A_198 : vector<16xi32>
          %gather3A_200 = tpu.vector_load_idx %arg17[%add3A_195, %add3A_199] : memref<2048x16xf32, #tpu.memory_space<vmem>>[vector<16xi32>, vector<16xi32>], vector<16xf32>,
          %mul3A_201 = arith.mulf %get3A_191, %gather3A_196 : vector<16xf32>
          %add3A_202 = arith.addf %add3A_183, %mul3A_201 : vector<16xf32>
          %mul3A_203 = arith.mulf %get3A_191, %gather3A_200 : vector<16xf32>
          %add3A_204 = arith.addf %add3A_185, %mul3A_203 : vector<16xf32>
          %mul3A_205 = arith.constant 16 : i32
          %mul3A_206 = arith.muli %scan3A_86, %mul3A_205 : i32
          %add3A_207 = arith.constant 1536 : i32
          %add3A_208 = arith.addi %add3A_207, %mul3A_206 : i32
          %get3A_209 = arith.index_cast %add3A_208 : i32 to index
          %get3A_210 = tpu.vector_load %arg16[%get3A_209] {strides = array<i32>} : memref<2048xf32, #tpu.memory_space<vmem>>, vector<16xf32>,
          %get3A_211 = arith.index_cast %add3A_208 : i32 to index
          %get3A_212 = tpu.vector_load %arg15[%get3A_211] {strides = array<i32>} : memref<2048xi32, #tpu.memory_space<vmem>>, vector<16xi32>,
          %add3A_213 = vector.broadcast %add3A_208 : i32 to vector<16xi32>
          %add3A_214 = arith.addi %iota3A, %add3A_213 : vector<16xi32>
          %gather3A_215 = tpu.vector_load_idx %arg17[%add3A_214, %get3A_212] : memref<2048x16xf32, #tpu.memory_space<vmem>>[vector<16xi32>, vector<16xi32>], vector<16xf32>,
          %add3A_216 = arith.constant 1 : i32
          %add3A_217 = vector.broadcast %add3A_216 : i32 to vector<16xi32>
          %add3A_218 = arith.addi %get3A_212, %add3A_217 : vector<16xi32>
          %gather3A_219 = tpu.vector_load_idx %arg17[%add3A_214, %add3A_218] : memref<2048x16xf32, #tpu.memory_space<vmem>>[vector<16xi32>, vector<16xi32>], vector<16xf32>,
          %mul3A_220 = arith.mulf %get3A_210, %gather3A_215 : vector<16xf32>
          %add3A_221 = arith.addf %add3A_202, %mul3A_220 : vector<16xf32>
          %mul3A_222 = arith.mulf %get3A_210, %gather3A_219 : vector<16xf32>
          %add3A_223 = arith.addf %add3A_204, %mul3A_222 : vector<16xf32>
          %mul3A_224 = arith.constant 16 : i32
          %mul3A_225 = arith.muli %scan3A_86, %mul3A_224 : i32
          %add3A_226 = arith.constant 1792 : i32
          %add3A_227 = arith.addi %add3A_226, %mul3A_225 : i32
          %get3A_228 = arith.index_cast %add3A_227 : i32 to index
          %get3A_229 = tpu.vector_load %arg16[%get3A_228] {strides = array<i32>} : memref<2048xf32, #tpu.memory_space<vmem>>, vector<16xf32>,
          %get3A_230 = arith.index_cast %add3A_227 : i32 to index
          %get3A_231 = tpu.vector_load %arg15[%get3A_230] {strides = array<i32>} : memref<2048xi32, #tpu.memory_space<vmem>>, vector<16xi32>,
          %add3A_232 = vector.broadcast %add3A_227 : i32 to vector<16xi32>
          %add3A_233 = arith.addi %iota3A, %add3A_232 : vector<16xi32>
          %gather3A_234 = tpu.vector_load_idx %arg17[%add3A_233, %get3A_231] : memref<2048x16xf32, #tpu.memory_space<vmem>>[vector<16xi32>, vector<16xi32>], vector<16xf32>,
          %add3A_235 = arith.constant 1 : i32
          %add3A_236 = vector.broadcast %add3A_235 : i32 to vector<16xi32>
          %add3A_237 = arith.addi %get3A_231, %add3A_236 : vector<16xi32>
          %gather3A_238 = tpu.vector_load_idx %arg17[%add3A_233, %add3A_237] : memref<2048x16xf32, #tpu.memory_space<vmem>>[vector<16xi32>, vector<16xi32>], vector<16xf32>,
          %mul3A_239 = arith.mulf %get3A_229, %gather3A_234 : vector<16xf32>
          %add3A_240 = arith.addf %add3A_221, %mul3A_239 : vector<16xf32>
          %mul3A_241 = arith.mulf %get3A_229, %gather3A_238 : vector<16xf32>
          %add3A_242 = arith.addf %add3A_223, %mul3A_241 : vector<16xf32>
          %mul3A_243 = arith.constant 16 : i32
          %mul3A_244 = arith.muli %scan3A_86, %mul3A_243 : i32
          %add3A_245 = vector.broadcast %mul3A_244 : i32 to vector<16xi32>
          %add3A_246 = arith.addi %iota3A, %add3A_245 : vector<16xi32>
          tpu.vector_store_idx %arg18[%add3A_246, %broadcast_in_dim3A_77], %add3A_240 : memref<256x32xf32, #tpu.memory_space<vmem>>[vector<16xi32>, vector<16xi32>], vector<16xf32>,
          %add3A_247 = arith.constant 1 : i32
          %add3A_248 = vector.broadcast %add3A_247 : i32 to vector<16xi32>
          %add3A_249 = arith.addi %broadcast_in_dim3A_77, %add3A_248 : vector<16xi32>
          tpu.vector_store_idx %arg18[%add3A_246, %add3A_249], %add3A_242 : memref<256x32xf32, #tpu.memory_space<vmem>>[vector<16xi32>, vector<16xi32>], vector<16xf32>,
          %scan3A_250 = arith.constant 0 : i32
          scf.yield %scan3A_250 : i32
        }
        %scan3A_84 = arith.constant 16 : i32
        %scan3A_85 = arith.constant 0 : i32
        scf.yield %scan3A_85 : i32
      }
      %scan3A_34 = arith.constant 16 : i32
      "tpu.region"() ({
        %run_scoped3A_36 = tpu.sem_alloc : memref<!tpu.dma_semaphore, #tpu.memory_space<semaphore_mem>>
        %dma_start3A = arith.constant 0 : i32
        %dma_start3A_37 = tpu.memref_slice %arg7[%add3A_18, %dma_start3A] : memref<131072x32xf32, #tpu.memory_space<hbm>> -> memref<256x32xf32, #tpu.memory_space<hbm>>
        %dma_start3A_38 = arith.constant 0 : i32
        %dma_start3A_39 = tpu.memref_slice %arg7[%add3A_18, %dma_start3A_38] : memref<131072x32xf32, #tpu.memory_space<hbm>> -> memref<256x32xf32, #tpu.memory_space<hbm>>
        tpu.enqueue_dma source(%arg18 : memref<256x32xf32, #tpu.memory_space<vmem>>) target(%dma_start3A_39 : memref<256x32xf32, #tpu.memory_space<hbm>>) target_semaphore(%run_scoped3A_36 : memref<!tpu.dma_semaphore, #tpu.memory_space<semaphore_mem>>)
        %dma_wait3A = arith.constant 0 : i32
        %dma_wait3A_40 = tpu.memref_slice %arg7[%add3A_18, %dma_wait3A] : memref<131072x32xf32, #tpu.memory_space<hbm>> -> memref<256x32xf32, #tpu.memory_space<hbm>>
        %dma_wait3A_41 = arith.constant 0 : i32
        %dma_wait3A_42 = tpu.memref_slice %arg7[%add3A_18, %dma_wait3A_41] : memref<131072x32xf32, #tpu.memory_space<hbm>> -> memref<256x32xf32, #tpu.memory_space<hbm>>
        tpu.wait_dma2 semaphore(%run_scoped3A_36 : memref<!tpu.dma_semaphore, #tpu.memory_space<semaphore_mem>>) src(%arg18 : memref<256x32xf32, #tpu.memory_space<vmem>>) dst(%dma_wait3A_42 : memref<256x32xf32, #tpu.memory_space<hbm>>)
        tpu.yield
      }) : () -> ()
      %scan3A_35 = arith.constant 0 : i32
      scf.yield %scan3A_35 : i32
    }
    %scan3A_13 = arith.constant 16 : i32
    return
  }
}

</mosaic_0001>

<sc_bundles>
// kernel: kernel.4.cloned.1.call-start
scs
__scs_entry_jumppad:
0x0: {  	(pc) =	sbr.rel $0x88, $3  }
0x1: {  	(tag) =	ssettag $0x0;
	lr =	simm.s32 $0x1  }
0x2: {  	[smem:$0x3F9D] =	sst lr;
	_ =	strace $0xD0000000  }
0x3: {  	_ = 	snop  }
0x4: {  	_ = 	snop  }
0x5: {  	_ = 	snop  }
0x6: {  	_ = 	snop  }
0x7: {  	_ = 	snop  }
__scs_overlays_trampoline_lowered:
0x8: {  	[smem:$0x3FAC] =	sst s0  }
0x9: {  	[smem:$0x3FAD] =	sst s1  }
0xa: {  	[smem:$0x3FAE] =	sst s2  }
0xb: {  	[smem:$0x3FAF] =	sst s3  }
0xc: {  	[smem:$0x3FB0] =	sst s4  }
0xd: {  	[smem:$0x3FB1] =	sst s5  }
0xe: {  	[smem:$0x3FB2] =	sst s6  }
0xf: {  	[smem:$0x3FB3] =	sst s7  }
0x10: {  	[smem:$0x3FB4] =	sst s8  }
0x11: {  	[smem:$0x3FB5] =	sst s9;
	s0 =	simm.s32 @!p0 $0x0  }
0x12: {  	s1 =	sld [smem:$0x3F9B];
	s0 =	simm.s32 @p0 $0x1  }
0x13: {  	[smem:$0x3FB6] =	sst s0;
	s0 =	simm.s32 @!p1 $0x0  }
0x14: {  	s2 =	sld [smem:$0x3F9A];
	s0 =	simm.s32 @p1 $0x1  }
0x15: {  	[smem:$0x3FB7] =	sst s0;
	s0 =	simm.s32 @!p2 $0x0  }
0x16: {  	s3 =	sld [smem:$0x3FDB];
	s0 =	simm.s32 @p2 $0x1  }
0x17: {  	s4 =	simm.s32 $0x1BF5;
	[smem:$0x3FB9] =	sst s0  }
0x18: {  	s0 =	sld [smem:$0x3F9C];
	_ =	swait.ge [sflag:s4], $0x0  }
0x19: {  	s7 =	sld [smem:$0x3F9D]  }
0x1a: {  	s8 =	sadd.s32 $0xFFFFE003, lr  }
0x1b: {  	s9 =	sadd.s32 $0xFFFFFEF7, lr;
	s5 =	simm.s32 $0xFFFFFFFF;
	p2 =	slt.u32 s8, $0xFFFFF086  }
0x1c: {  	p1 =	slt.u32 s9, $0xF7A;
	s5 =	simm.s32 @!p2 $0x0  }
0x1d: {  	s5 =	simm.s32 @p1 $0x1;
	p0 =	seq.s32 s7, s2  }
0x1e: {  	s7 =	smul.u32 @!p0 $0xF7A, s2;
	p2 =	seq.s32 @!p0 s5, $0x0  }
0x1f: {  	s9 =	smul.u32 $0xF7A, s1;
	s8 =	simm.s32 @!p0 $0x1BF5;
	p2 =	por !p2, p0  }
0x20: {  	[sflag:s8] =	ssyncset.s32 @!p0 $0xFFFFF086;
	s6 =	sadd.s32 @!p0 s3, s7;
	s7 =	simm.s32 @!p0 $0x108  }
0x21: {  	s3 =	sadd.s32 s3, s9;
	s6 =	sadd.s32 @!p0 $0x88, s6;
	s7 =	simm.s32 @p2 $0x1082  }
0x22: {  	[simem:s7], [sflag:s8] =	dma.local @!p0 [hbm:s6], $0xF7A  }
0x23: {  	s9 =	sor.u32 $0xD0000000, s2;
	s6 =	simm.s32 $0x108;
	_ =	swait.ge @!p0 [sflag:s8], $0x0  }
0x24: {  	s3 =	sadd.s32 $0x88, s3;
	s6 =	simm.s32 @!p1 $0x1082;
	[sflag:s4] =	ssyncset.s32 $0xFFFFF086  }
0x25: {  	[simem:s6], [sflag:s4] =	dma.local [hbm:s3], $0xF7A  }
0x26: {  	[smem:$0x3F9D] =	sst s1;
	(tag) =	ssettag s2;
	_ =	strace s9  }
0x27: {  	s1 =	sld [smem:$0x3FAD]  }
0x28: {  	s2 =	sld [smem:$0x3FAE]  }
0x29: {  	s4 =	sld [smem:$0x3FB0]  }
0x2a: {  	p0 =	seq.s32 s5, $0x0;
	s5 =	sld [smem:$0x3FB1]  }
0x2b: {  	s6 =	sld [smem:$0x3FB2]  }
0x2c: {  	s7 =	sld [smem:$0x3FB3]  }
0x2d: {  	s3 =	simm.s32 $0x108;
	s8 =	sld [smem:$0x3FB4]  }
0x2e: {  	s3 =	simm.s32 @!p0 $0x1082;
	s9 =	sld [smem:$0x3FB5]  }
0x2f: {  	lr =	sadd.s32 s0, s3;
	s0 =	sld [smem:$0x3FAC]  }
0x30: {  	s3 =	sld [smem:$0x3FAF]  }
0x31: {  	[smem:$0x3FB8] =	sst s10  }
0x32: {  	s10 =	sld [smem:$0x3FB6];
	_ =	sdelay $0x3  }
0x33: {  	p0 =	seq.s32 s10, $0x1;
	s10 =	sld [smem:$0x3FB8];
	_ =	sdelay $0x3  }
0x34: {  	[smem:$0x3FB8] =	sst s10  }
0x35: {  	s10 =	sld [smem:$0x3FB7];
	_ =	sdelay $0x3  }
0x36: {  	p1 =	seq.s32 s10, $0x1;
	s10 =	sld [smem:$0x3FB8];
	_ =	sdelay $0x3  }
0x37: {  	[smem:$0x3FB8] =	sst s10  }
0x38: {  	s10 =	sld [smem:$0x3FB9]  }
0x39: {  	_ = 	snop;
	(pc) =	sbr.ind lr, $3  }
0x3a: {  	_ = 	snop  }
0x3b: {  	_ = 	snop  }
0x3c: {  	p2 =	seq.s32 s10, $0x1;
	s10 =	sld [smem:$0x3FB8]  }
0x3d: {  	_ =	shalt  }
0x3e: {  	_ =	shalt  }
0x3f: {  	_ =	shalt  }
0x40: {  	_ =	shalt  }
0x41: {  	_ =	shalt  }
0x42: {  	_ =	shalt  }
0x43: {  	_ =	shalt  }
0x44: {  	_ =	shalt  }
0x45: {  	_ =	shalt  }
0x46: {  	_ =	shalt  }
0x47: {  	_ =	shalt  }
0x48: {  	_ =	shalt  }
0x49: {  	_ =	shalt  }
0x4a: {  	_ =	shalt  }
0x4b: {  	_ =	shalt  }
0x4c: {  	_ =	shalt  }
0x4d: {  	_ =	shalt  }
0x4e: {  	_ =	shalt  }
0x4f: {  	_ =	shalt  }
0x50: {  	_ =	shalt  }
0x51: {  	_ =	shalt  }
0x52: {  	_ =	shalt  }
0x53: {  	_ =	shalt  }
0x54: {  	_ =	shalt  }
0x55: {  	_ =	shalt  }
0x56: {  	_ =	shalt  }
0x57: {  	_ =	shalt  }
0x58: {  	_ =	shalt  }
0x59: {  	_ =	shalt  }
0x5a: {  	_ =	shalt  }
0x5b: {  	_ =	shalt  }
0x5c: {  	_ =	shalt  }
0x5d: {  	_ =	shalt  }
0x5e: {  	_ =	shalt  }
0x5f: {  	_ =	shalt  }
0x60: {  	_ =	shalt  }
0x61: {  	_ =	shalt  }
0x62: {  	_ =	shalt  }
0x63: {  	_ =	shalt  }
0x64: {  	_ =	shalt  }
0x65: {  	_ =	shalt  }
0x66: {  	_ =	shalt  }
0x67: {  	_ =	shalt  }
0x68: {  	_ =	shalt  }
0x69: {  	_ =	shalt  }
0x6a: {  	_ =	shalt  }
0x6b: {  	_ =	shalt  }
0x6c: {  	_ =	shalt  }
0x6d: {  	_ =	shalt  }
0x6e: {  	_ =	shalt  }
0x6f: {  	_ =	shalt  }
0x70: {  	_ =	shalt  }
0x71: {  	_ =	shalt  }
0x72: {  	_ =	shalt  }
0x73: {  	_ =	shalt  }
0x74: {  	_ =	shalt  }
0x75: {  	_ =	shalt  }
0x76: {  	_ =	shalt  }
0x77: {  	_ =	shalt  }
0x78: {  	_ =	shalt  }
0x79: {  	_ =	shalt  }
0x7a: {  	_ =	shalt  }
0x7b: {  	_ =	shalt  }
0x7c: {  	_ =	shalt  }
0x7d: {  	_ =	shalt  }
0x7e: {  	_ =	shalt  }
0x7f: {  	_ =	shalt  }
0x80: {  	_ =	shalt  }
0x81: {  	_ =	shalt  }
0x82: {  	_ =	shalt  }
0x83: {  	_ =	shalt  }
0x84: {  	_ =	shalt  }
0x85: {  	_ =	shalt  }
0x86: {  	_ =	shalt  }
0x87: {  	_ =	shalt  }
.Lfunc_end0:
.L_simem_size_0:
called_computation_lowered:
.L_overlay_start_0:
0x88: {  	s2 =	sld [smem:$0x3FD9]  }
0x89: {  	s3 =	sld [smem:$0x3FFE];
	_ =	sdelay $0x1  }
0x8a: {  	s1 =	srdreg.scid  }
0x8b: {  	s0 =	sand.u32 $0x1, s1  }
0x8c: {  	s16 =	sshll.u32 s0, $0xA;
	s2 =	sadd.s32 s3, s2  }
0x8d: {  	s2 =	sadd.s32 s2, s16  }
0x8e: {  	[smem:$0x3FC4] =	sst s2  }
0x8f: {  	_ = 	snop  }
0x90: {  	(tm) =	ssettm $0x1  }
0x91: {  	s17 =	sld [smem:$0x3FFB];
	_ =	sdelay $0x3  }
0x92: {  	_ =	strace s17  }
0x93: {  	s2 =	sld [smem:$0x3FFC];
	_ =	sdelay $0x3  }
0x94: {  	_ =	strace s2  }
0x95: {  	s2 =	sld [smem:$0x3FFD];
	_ =	sdelay $0x3  }
0x96: {  	_ =	strace s2  }
0x97: {  	_ =	strace $0x8FFFFFFF  }
0x98: {  	s18 =	sld [smem:$0x3FDB];
	_ =	sdelay $0x1  }
0x99: {  	s19 =	simm.s32 $_scs_section_size  }
0x9a: {  	s4 =	simm.s32 $_size__tile_overlayer_lowered;
	s5 =	simm.s32 $_tile_overlayer_lowered  }
0x9b: {  	s22 =	simm.s32 $0x1BFF;
	s21 =	sshll.u32 s5, $0x1;
	s2 =	sadd.s32 s19, s18  }
0x9c: {  	s6 =	simm.s32 $0x0;
	s20 =	sshll.u32 s4, $0x1;
	s4 =	sadd.s32 s21, s2  }
0x9d: {  	[timem:s6], [sflag:s22] =	dma.local [hbm:s4], s20  }
0x9e: {  	_ =	swait.ge [sflag:s22], s20  }
0x9f: {  	s3 =	ssub.s32 $0x0, s20;
	[sflag:s22] =	ssyncset.done $0x0  }
0xa0: {  	[sflag:s22] =	ssyncadd.s32 s3;
	_ =	sdelay $0x1  }
0xa1: {  	s23 =	simm.s32 $0x1B8B  }
0xa2: {  	_ =	swait.ge [sflag:s23], $0x1  }
0xa3: {  	[sflag:s23] =	ssyncset.done $0x0  }
0xa4: {  	s25 =	simm.s32 $0x1B8E;
	s24 =	sld [smem:$0x3FFE];
	[sflag:s23] =	ssyncadd.s32 $0xFFFFFFFF  }
0xa5: {  	s26 =	simm.s32 $execute0_lowered;
	[smem:$0x3FD2] =	sst s25  }
0xa6: {  	s4 =	sshll.u32 s26, $0x1;
	_ =	strace $0x80000046;
	[dreg:$0x1] =	wrdreg $0xFFFFFFFF  }
0xa7: {  	s28 =	simm.s32 $_size_execute0_lowered;
	s2 =	sadd.s32 s2, s4;
	[dreg:$0x0] =	wrdreg $0x0  }
0xa8: {  	s4 =	sshll.u32 s28, $0x1;
	[dreg:$0x2] =	wrdreg s2  }
0xa9: {  	[dreg:$0x3] =	wrdreg s4  }
0xaa: {  	[dreg:$0x4] =	wrdreg $0xC0  }
0xab: {  	_ =	task [dreg:s6], $0x5FFFF  }
0xac: {  	[dreg:$0x1] =	wrdreg $0xFFFFFFFF  }
0xad: {  	[dreg:$0x0] =	wrdreg $0x60  }
0xae: {  	[dreg:$0x2] =	wrdreg s24  }
0xaf: {  	[dreg:$0x3] =	wrdreg $0x9  }
0xb0: {  	_ =	task.clear_ibuf [dreg:s6], $0x4FFFF;
	_ =	strace $0x90000046  }
0xb1: {  	s29 =	simm.s32 $0x9;
	_ =	strace $0x80000048  }
0xb2: {  	_ =	swait.ge [sflag:s29], $0x1  }
0xb3: {  	[sflag:s29] =	ssyncadd.s32 $0xFFFFFFFF  }
0xb4: {  	_ =	strace $0x90000048  }
0xb5: {  	_ =	sfence  }
0xb6: {  	s30 =	sld [smem:$0x0];
	_ =	sdelay $0x2  }
0xb7: {  	s31 =	sshll.u32 s1, $0xD;
	s1 =	sshrl.u32 s1, $0x2  }
0xb8: {  	s3 =	sand.u32 $0x4000, s31;
	s1 =	sadd.s32 s1, s30  }
0xb9: {  	s0 =	sor.u32 s3, s0;
	s1 =	sshll.u32 s1, $0x11  }
0xba: {  	s0 =	sor.u32 s1, s0  }
0xbb: {  	s0 =	sadd.s32 $0x8F2B, s0  }
0xbc: {  	[sflag:s0] =	ssyncadd.remote.s32 $0x1  }
0xbd: {  	_ =	sfence.sel $0xFFFF  }
0xbe: {  	[dreg:$0x0] =	wrdreg $0xFFFFFFFF;
	(pc) =	sbr.abs _section_cstart, $3  }
0xbf: {  	[dreg:$0x1] =	wrdreg $0xFFFFFFFF  }
0xc0: {  	_ =	task.clear_ibuf [dreg:s6], $0x2FFFF;
	_ =	strace $0x9FFFFFFF  }
0xc1: {  	(tm) =	ssettm $0x7FFFFFFF  }
tec
execute0_lowered:
.L_overlay_start_1:
0x0: {  	(tag) =	ssettag $0x1  }
0x1: {  	s12 =	rddreg [dreg:$0x0]  }
0x2: {  	s0 =	rddreg [dreg:$0x1]  }
0x3: {  	s3 =	srdreg.scid;
	s1 =	stileid.u32  }
0x4: {  	s2 =	simm.s32 $0x0;
	s14 =	simm.s32 $0x1;
	s15 =	simm.s32 $0x4000  }
0x5: {  	s3 =	sand.u32 $0x1, s3;
	s4 =	sshll.u32 s1, $0x1;
	[smem:$0x7FF] =	sst s2  }
0x6: {  	s5 =	sadd.s32 $0x1400, s12;
	s6 =	sadd.s32 $0x175800, s12;
	s16 =	sor.u32 s3, s4  }
0x7: {  	s10 =	sadd.s32 $0x1757E0, s12;
	s7 =	ssub.s32 $0x2, s3;
	s3 =	smul.u32 $0x5D0F, s16  }
.Ltmp0:
0x8: {  	v1 =	vlaneseq.u32;
	s11 =	sadd.s32 $0xBB5E0, s12;
	_ =	strace $0x80000047;
	(pc) =	sbr.rel .LBB2_1-.Ltmp0, $4  }
0x9: {  	v0 =	vand.u32 $0x7, v1;
	s4 =	sadd.s32 $0xBB600, s12;
	s12 =	sadd.s32 $0x2E9BC0, s12;
	s8 =	sshrl.u32 s7, $0x1  }
0xa: {  	v1 =	vshrl.u32 v1, $0x3;
	v0 =	vmul.u32 $0x2, v0;
	p0 =	sne.s32 s16, $0x0;
	s13 =	ssub.s32 s7, s8;
	s9 =	sadd.s32 $0x5C00, s3  }
0xb: {  	v1 =	vmul.u32 $0x10, v1;
	s7 =	sadd.s32 s4, s9;
	s8 =	sadd.s32 s5, s9;
	s9 =	sshll.u32 s9, $0x1  }
0xc: {  	v3 =	vimm.f32 $0.0e+00;
	s16 =	simm.s32 $0x0;
	v2 =	vor.u32 $0x1, v0;
	s13 =	smax.u32 s13, $0x1;
	s9 =	sadd.s32 s6, s9  }
.LBB2_11:
0xd: {  	s16 =	sadd.s32 $0x1, s16  }
0xe: {  	p1 =	sne.s32 s16, s13  }
.Ltmp1:
0xf: {  	_ = 	snop;
	(pc) =	sbr.rel @!p1 .LBB2_12-.Ltmp1, $1  }
0x10: {  	_ =	sdelay $0x3  }
.LBB2_1:
0x11: {  	s17 =	simm.s32 $0x0  }
.LBB2_2:
0x12: {  	s18 =	sshll.u32 s17, $0xA  }
0x13: {  	s18 =	sadd.s32 s3, s18  }
0x14: {  	s19 =	simm.s32 $0x0;
	s20 =	sadd.s32 s4, s18  }
0x15: {  	[tilespmem:s19], [sflag:$0x1] =	stream.linear.gather [hbm4b:s20+s19], $0x2000, $0x38;
	[tilespmem:$0x8000] =	vst v63  }
0x16: {  	_ =	swait.ge [sflag:s14], $0x2000  }
0x17: {  	[sflag:s14] =	ssyncset.done $0x0  }
0x18: {  	s21 =	sadd.s32 s5, s18;
	s20 =	simm.s32 $0x2000;
	[sflag:s14] =	ssyncadd.s32 $0xFFFFE000  }
0x19: {  	[tilespmem:s20], [sflag:$0x1] =	stream.linear.gather [hbm4b:s21+s19], $0x2000, $0x38;
	[tilespmem:$0x8000] =	vst v63  }
0x1a: {  	v4 =	vmov s19;
	_ =	swait.ge [sflag:s14], $0x2000  }
0x1b: {  	v4 =	vshll.u32 v4, $0x4;
	[sflag:s14] =	ssyncset.done $0x0  }
0x1c: {  	v5 =	vor.u32 v1, v4;
	[sflag:s14] =	ssyncadd.s32 $0xFFFFE000  }
0x1d: {  	v8 =	vor.u32 v0, v5;
	v7 =	vld [tilespmem:s19+$0x0]  }
0x1e: {  	v5 =	vor.u32 v2, v5;
	v4 =	vld [tilespmem:s20+$0x0];
	_ =	sdelay $0x1  }
0x1f: {  	s31 =	simm.s32 $0x2  }
0x20: {  	v6 =	vmov s31  }
0x21: {  	v6 =	vshll.u32 v6, $0x4;
	s21 =	simm.s32 $0x4;
	[tilespmem:v8+s15+$0x0] =	vst.idx.msk $0xffff, v7  }
.LBB2_3:
0x22: {  	p1 =	sne.s32 s21, $0x3FE;
	v6 =	vor.u32 v1, v6;
	[tilespmem:v5+s15+$0x0] =	vst.idx.msk $0xffff, v4;
	s19 =	sadd.s32 $0x10, s19  }
0x23: {  	s20 =	sadd.s32 $0x10, s20;
	v7 =	vld [tilespmem:s19+$0x0];
	v8 =	vor.u32 v0, v6  }
.Ltmp2:
0x24: {  	v5 =	vor.u32 v2, v6;
	v4 =	vld [tilespmem:s20+$0x0];
	(pc) =	sbr.rel @p1 .LBB2_3-.Ltmp2, $3  }
0x25: {  	_ =	sdelay $0x1  }
0x26: {  	v6 =	vmov s21  }
0x27: {  	s21 =	sadd.s32 $0x2, s21;
	v6 =	vshll.u32 v6, $0x4;
	[tilespmem:v8+s15+$0x0] =	vst.idx.msk $0xffff, v7  }
0x28: {  	_ =	sdelay $0x3  }
0x29: {  	v6 =	vor.u32 v1, v6;
	[tilespmem:v5+s15+$0x0] =	vst.idx.msk $0xffff, v4;
	s19 =	sadd.s32 $0x10, s19  }
0x2a: {  	s31 =	sadd.s32 $0x10, s20;
	v4 =	vld [tilespmem:s19+$0x0];
	v5 =	vor.u32 v0, v6  }
0x2b: {  	v7 =	vld [tilespmem:s31+$0x0];
	v6 =	vor.u32 v2, v6;
	_ =	sdelay $0x2  }
0x2c: {  	s17 =	sadd.s32 $0x1, s17  }
0x2d: {  	s18 =	sshll.u32 s18, $0x1;
	p1 =	sne.s32 s17, $0x17;
	[tilespmem:v5+s15+$0x0] =	vst.idx.msk $0xffff, v4  }
.Ltmp3:
0x2e: {  	s18 =	sadd.s32 s6, s18;
	[tilespmem:v6+s15+$0x0] =	vst.idx.msk $0xffff, v7;
	(pc) =	sbr.rel @p1 .LBB2_2-.Ltmp3, $4  }
0x2f: {  	[hbm4b:s18+s2] =	stream.linear.scatter [tilespmem:s15], [sflag:$0x1], $0x4000, $0x38;
	[tilespmem:$0x8000] =	vst v63  }
0x30: {  	_ =	swait.ge [sflag:s14], $0x4000  }
0x31: {  	[sflag:s14] =	ssyncset.done $0x0  }
0x32: {  	[sflag:s14] =	ssyncadd.s32 $0xFFFFC000  }
0x33: {  	s17 =	simm.s32 $0x0  }
0x34: {  	[tilespmem:s17], [sflag:$0x1] =	stream.linear.gather [hbm4b:s7+s17], $0x878, $0x38;
	[tilespmem:$0x8000] =	vst v63  }
0x35: {  	_ =	swait.ge [sflag:s14], $0x878  }
0x36: {  	[sflag:s14] =	ssyncset.done $0x0  }
0x37: {  	s18 =	simm.s32 $0x2000;
	[sflag:s14] =	ssyncadd.s32 $0xFFFFF788  }
0x38: {  	[tilespmem:s18], [sflag:$0x1] =	stream.linear.gather [hbm4b:s8+s17], $0x878, $0x38;
	[tilespmem:$0x8000] =	vst v63  }
0x39: {  	v4 =	vmov s17;
	_ =	swait.ge [sflag:s14], $0x878  }
0x3a: {  	v4 =	vshll.u32 v4, $0x4;
	[sflag:s14] =	ssyncset.done $0x0  }
0x3b: {  	v5 =	vor.u32 v1, v4;
	[sflag:s14] =	ssyncadd.s32 $0xFFFFF788  }
0x3c: {  	v8 =	vor.u32 v0, v5;
	v7 =	vld [tilespmem:s17+$0x0]  }
0x3d: {  	v5 =	vor.u32 v2, v5;
	v4 =	vld [tilespmem:s18+$0x0];
	_ =	sdelay $0x1  }
0x3e: {  	s19 =	simm.s32 $0x2  }
0x3f: {  	v6 =	vmov s19  }
0x40: {  	s19 =	simm.s32 $0x4;
	v6 =	vshll.u32 v6, $0x4;
	[tilespmem:v8+s15+$0x0] =	vst.idx.msk $0xffff, v7  }
.LBB2_6:
0x41: {  	p1 =	sne.s32 s19, $0x10E;
	v6 =	vor.u32 v1, v6;
	[tilespmem:v5+s15+$0x0] =	vst.idx.msk $0xffff, v4;
	s17 =	sadd.s32 $0x10, s17  }
0x42: {  	s18 =	sadd.s32 $0x10, s18;
	v7 =	vld [tilespmem:s17+$0x0];
	v8 =	vor.u32 v0, v6  }
.Ltmp4:
0x43: {  	v5 =	vor.u32 v2, v6;
	v4 =	vld [tilespmem:s18+$0x0];
	(pc) =	sbr.rel @p1 .LBB2_6-.Ltmp4, $3  }
0x44: {  	_ =	sdelay $0x1  }
0x45: {  	v6 =	vmov s19  }
0x46: {  	s19 =	sadd.s32 $0x2, s19;
	v6 =	vshll.u32 v6, $0x4;
	[tilespmem:v8+s15+$0x0] =	vst.idx.msk $0xffff, v7  }
0x47: {  	_ =	sdelay $0x3  }
0x48: {  	v6 =	vor.u32 v1, v6;
	[tilespmem:v5+s15+$0x0] =	vst.idx.msk $0xffff, v4;
	s17 =	sadd.s32 $0x10, s17  }
0x49: {  	s31 =	sadd.s32 $0x10, s18;
	v4 =	vld [tilespmem:s17+$0x0];
	v5 =	vor.u32 v0, v6  }
0x4a: {  	v7 =	vld [tilespmem:s31+$0x0];
	v6 =	vor.u32 v2, v6;
	_ =	sdelay $0x3  }
0x4b: {  	[tilespmem:v5+s15+$0x0] =	vst.idx.msk $0xffff, v4  }
.Ltmp5:
0x4c: {  	[tilespmem:v6+s15+$0x0] =	vst.idx.msk $0xffff, v7;
	(pc) =	sbr.rel @p0 .LBB2_11-.Ltmp5, $4  }
0x4d: {  	[hbm4b:s9+s2] =	stream.linear.scatter [tilespmem:s15], [sflag:$0x1], $0x10F0, $0x38;
	[tilespmem:$0x8000] =	vst v63  }
0x4e: {  	_ =	swait.ge [sflag:s14], $0x10F0  }
0x4f: {  	[sflag:s14] =	ssyncset.done $0x0  }
0x50: {  	[sflag:s14] =	ssyncadd.s32 $0xFFFFEF10  }
0x51: {  	[tilespmem:$0x0] =	vst v3  }
0x52: {  	[tilespmem:$0x2000] =	vst v3  }
0x53: {  	[tilespmem:$0x10] =	vst v3  }
0x54: {  	[tilespmem:$0x2010] =	vst v3  }
0x55: {  	[tilespmem:$0x20] =	vst v3  }
0x56: {  	[tilespmem:$0x2020] =	vst v3  }
0x57: {  	[tilespmem:$0x30] =	vst v3  }
0x58: {  	[tilespmem:$0x2030] =	vst v3  }
0x59: {  	[tilespmem:$0x40] =	vst v3  }
0x5a: {  	[tilespmem:$0x2040] =	vst v3  }
0x5b: {  	[tilespmem:$0x50] =	vst v3  }
0x5c: {  	[tilespmem:$0x2050] =	vst v3  }
0x5d: {  	[tilespmem:$0x60] =	vst v3  }
0x5e: {  	[tilespmem:$0x2060] =	vst v3  }
0x5f: {  	[tilespmem:$0x70] =	vst v3  }
0x60: {  	[tilespmem:$0x2070] =	vst v3  }
0x61: {  	[tilespmem:$0x80] =	vst v3  }
0x62: {  	[tilespmem:$0x2080] =	vst v3  }
0x63: {  	[tilespmem:$0x90] =	vst v3  }
0x64: {  	[tilespmem:$0x2090] =	vst v3  }
0x65: {  	[tilespmem:$0xA0] =	vst v3  }
0x66: {  	[tilespmem:$0x20A0] =	vst v3  }
0x67: {  	[tilespmem:$0xB0] =	vst v3  }
0x68: {  	[tilespmem:$0x20B0] =	vst v3  }
0x69: {  	[tilespmem:$0xC0] =	vst v3  }
0x6a: {  	[tilespmem:$0x20C0] =	vst v3  }
0x6b: {  	[tilespmem:$0xD0] =	vst v3  }
0x6c: {  	[tilespmem:$0x20D0] =	vst v3  }
0x6d: {  	[tilespmem:$0xE0] =	vst v3  }
0x6e: {  	[tilespmem:$0x20E0] =	vst v3;
	s17 =	simm.s32 $0x0  }
0x6f: {  	[tilespmem:s17], [sflag:$0x1] =	stream.linear.gather [hbm4b:s10+s17], $0xED, $0x38;
	[tilespmem:$0x8000] =	vst v63  }
0x70: {  	_ =	swait.ge [sflag:s14], $0xED  }
0x71: {  	[sflag:s14] =	ssyncset.done $0x0  }
0x72: {  	s18 =	simm.s32 $0x2000;
	[sflag:s14] =	ssyncadd.s32 $0xFFFFFF13  }
0x73: {  	[tilespmem:s18], [sflag:$0x1] =	stream.linear.gather [hbm4b:s11+s17], $0xED, $0x38;
	[tilespmem:$0x8000] =	vst v63  }
0x74: {  	v4 =	vmov s17;
	_ =	swait.ge [sflag:s14], $0xED  }
0x75: {  	v4 =	vshll.u32 v4, $0x4;
	[sflag:s14] =	ssyncset.done $0x0  }
0x76: {  	v5 =	vor.u32 v1, v4;
	[sflag:s14] =	ssyncadd.s32 $0xFFFFFF13  }
0x77: {  	v8 =	vor.u32 v0, v5;
	v7 =	vld [tilespmem:s17+$0x0]  }
0x78: {  	v5 =	vor.u32 v2, v5;
	v4 =	vld [tilespmem:s18+$0x0];
	_ =	sdelay $0x1  }
0x79: {  	s19 =	simm.s32 $0x2  }
0x7a: {  	v6 =	vmov s19  }
0x7b: {  	s19 =	simm.s32 $0x4;
	v6 =	vshll.u32 v6, $0x4;
	[tilespmem:v8+s15+$0x0] =	vst.idx.msk $0xffff, v7  }
.LBB2_9:
0x7c: {  	p1 =	sne.s32 s19, $0x1C;
	v6 =	vor.u32 v1, v6;
	[tilespmem:v5+s15+$0x0] =	vst.idx.msk $0xffff, v4;
	s17 =	sadd.s32 $0x10, s17  }
0x7d: {  	s18 =	sadd.s32 $0x10, s18;
	v7 =	vld [tilespmem:s17+$0x0];
	v8 =	vor.u32 v0, v6  }
.Ltmp6:
0x7e: {  	v5 =	vor.u32 v2, v6;
	v4 =	vld [tilespmem:s18+$0x0];
	(pc) =	sbr.rel @p1 .LBB2_9-.Ltmp6, $3  }
0x7f: {  	_ =	sdelay $0x1  }
0x80: {  	v6 =	vmov s19  }
0x81: {  	s19 =	sadd.s32 $0x2, s19;
	v6 =	vshll.u32 v6, $0x4;
	[tilespmem:v8+s15+$0x0] =	vst.idx.msk $0xffff, v7  }
0x82: {  	_ =	sdelay $0x3  }
0x83: {  	v6 =	vor.u32 v1, v6;
	[tilespmem:v5+s15+$0x0] =	vst.idx.msk $0xffff, v4;
	s17 =	sadd.s32 $0x10, s17  }
0x84: {  	s31 =	sadd.s32 $0x10, s18;
	v4 =	vld [tilespmem:s17+$0x0];
	v5 =	vor.u32 v0, v6  }
0x85: {  	v7 =	vld [tilespmem:s31+$0x0];
	v6 =	vor.u32 v2, v6;
	_ =	sdelay $0x3  }
0x86: {  	[tilespmem:v5+s15+$0x0] =	vst.idx.msk $0xffff, v4  }
.Ltmp7:
0x87: {  	[tilespmem:v6+s15+$0x0] =	vst.idx.msk $0xffff, v7;
	(pc) =	sbr.rel .LBB2_11-.Ltmp7, $4  }
0x88: {  	[hbm4b:s12+s2] =	stream.linear.scatter [tilespmem:s15], [sflag:$0x1], $0x1E0, $0x38;
	[tilespmem:$0x8000] =	vst v63  }
0x89: {  	_ =	swait.ge [sflag:s14], $0x1E0  }
0x8a: {  	[sflag:s14] =	ssyncset.done $0x0  }
0x8b: {  	[sflag:s14] =	ssyncadd.s32 $0xFFFFFE20  }
.LBB2_12:
0x8c: {  	_ =	sfence.sel $0x180000  }
0x8d: {  	[bflag:$0x0] =	sbarrier.arrive $0xFFFF  }
0x8e: {  	p0 =	sne.s32 s1, $0x0;
	_ =	strace $0x90000047  }
0x8f: {  	s0 =	sadd.s32 @!p0 $0x100000, s0;
	[bflag:$0x2] =	sbarrier.arrive $0xFFFF  }
0x90: {  	[sflag:s0] =	ssyncadd.tile.s32 @!p0 $0x1;
	_ =	shalt  }
.Lfunc_end2:
_tile_overlayer_lowered:
.L_overlay_start_2:
0x91: {  	(tag) =	ssettag $0x2  }
0x92: {  	s0 =	rddreg [dreg:$0x0];
	s2 =	stileid.u32  }
0x93: {  	s1 =	rddreg [dreg:$0x1];
	p0 =	sne.s32 s2, $0x0  }
0x94: {  	s3 =	rddreg [dreg:$0x2];
	[bflag:$0x3] =	sbarrier.arrive $0xFFFF;
	s2 =	simm.s32 @!p0 $0x1C01  }
0x95: {  	[timem:s3], [sflag:s2] =	dma.local @!p0 [hbm:s0], s1  }
0x96: {  	s0 =	simm.s32 @!p0 $0x1  }
0x97: {  	_ =	swait.ge @!p0 [sflag:s0], s1  }
0x98: {  	s1 =	ssub.s32 @!p0 $0x0, s1;
	[sflag:s0] =	ssyncset.done @!p0 $0x0  }
0x99: {  	[sflag:s0] =	ssyncadd.s32 @!p0 s1  }
0x9a: {  	[bflag:$0x3] =	sbarrier.arrive $0xFFFF  }
0x9b: {  	_ =	shalt  }

// kernel: kernel.7.cloned.1.call-start
scs
__scs_entry_jumppad:
0x0: {  	(pc) =	sbr.rel $0x88, $3  }
0x1: {  	(tag) =	ssettag $0x0;
	lr =	simm.s32 $0x1  }
0x2: {  	[smem:$0x3F9D] =	sst lr;
	_ =	strace $0xD0000000  }
0x3: {  	_ = 	snop  }
0x4: {  	_ = 	snop  }
0x5: {  	_ = 	snop  }
0x6: {  	_ = 	snop  }
0x7: {  	_ = 	snop  }
__scs_overlays_trampoline_lowered:
0x8: {  	[smem:$0x3FAC] =	sst s0  }
0x9: {  	[smem:$0x3FAD] =	sst s1  }
0xa: {  	[smem:$0x3FAE] =	sst s2  }
0xb: {  	[smem:$0x3FAF] =	sst s3  }
0xc: {  	[smem:$0x3FB0] =	sst s4  }
0xd: {  	[smem:$0x3FB1] =	sst s5  }
0xe: {  	[smem:$0x3FB2] =	sst s6  }
0xf: {  	[smem:$0x3FB3] =	sst s7  }
0x10: {  	[smem:$0x3FB4] =	sst s8  }
0x11: {  	[smem:$0x3FB5] =	sst s9;
	s0 =	simm.s32 @!p0 $0x0  }
0x12: {  	s1 =	sld [smem:$0x3F9B];
	s0 =	simm.s32 @p0 $0x1  }
0x13: {  	[smem:$0x3FB6] =	sst s0;
	s0 =	simm.s32 @!p1 $0x0  }
0x14: {  	s2 =	sld [smem:$0x3F9A];
	s0 =	simm.s32 @p1 $0x1  }
0x15: {  	[smem:$0x3FB7] =	sst s0;
	s0 =	simm.s32 @!p2 $0x0  }
0x16: {  	s3 =	sld [smem:$0x3FDB];
	s0 =	simm.s32 @p2 $0x1  }
0x17: {  	s4 =	simm.s32 $0x1BF5;
	[smem:$0x3FB9] =	sst s0  }
0x18: {  	s0 =	sld [smem:$0x3F9C];
	_ =	swait.ge [sflag:s4], $0x0  }
0x19: {  	s7 =	sld [smem:$0x3F9D]  }
0x1a: {  	s8 =	sadd.s32 $0xFFFFE003, lr  }
0x1b: {  	s9 =	sadd.s32 $0xFFFFFEF7, lr;
	s5 =	simm.s32 $0xFFFFFFFF;
	p2 =	slt.u32 s8, $0xFFFFF086  }
0x1c: {  	p1 =	slt.u32 s9, $0xF7A;
	s5 =	simm.s32 @!p2 $0x0  }
0x1d: {  	s5 =	simm.s32 @p1 $0x1;
	p0 =	seq.s32 s7, s2  }
0x1e: {  	s7 =	smul.u32 @!p0 $0xF7A, s2;
	p2 =	seq.s32 @!p0 s5, $0x0  }
0x1f: {  	s9 =	smul.u32 $0xF7A, s1;
	s8 =	simm.s32 @!p0 $0x1BF5;
	p2 =	por !p2, p0  }
0x20: {  	[sflag:s8] =	ssyncset.s32 @!p0 $0xFFFFF086;
	s6 =	sadd.s32 @!p0 s3, s7;
	s7 =	simm.s32 @!p0 $0x108  }
0x21: {  	s3 =	sadd.s32 s3, s9;
	s6 =	sadd.s32 @!p0 $0x88, s6;
	s7 =	simm.s32 @p2 $0x1082  }
0x22: {  	[simem:s7], [sflag:s8] =	dma.local @!p0 [hbm:s6], $0xF7A  }
0x23: {  	s9 =	sor.u32 $0xD0000000, s2;
	s6 =	simm.s32 $0x108;
	_ =	swait.ge @!p0 [sflag:s8], $0x0  }
0x24: {  	s3 =	sadd.s32 $0x88, s3;
	s6 =	simm.s32 @!p1 $0x1082;
	[sflag:s4] =	ssyncset.s32 $0xFFFFF086  }
0x25: {  	[simem:s6], [sflag:s4] =	dma.local [hbm:s3], $0xF7A  }
0x26: {  	[smem:$0x3F9D] =	sst s1;
	(tag) =	ssettag s2;
	_ =	strace s9  }
0x27: {  	s1 =	sld [smem:$0x3FAD]  }
0x28: {  	s2 =	sld [smem:$0x3FAE]  }
0x29: {  	s4 =	sld [smem:$0x3FB0]  }
0x2a: {  	p0 =	seq.s32 s5, $0x0;
	s5 =	sld [smem:$0x3FB1]  }
0x2b: {  	s6 =	sld [smem:$0x3FB2]  }
0x2c: {  	s7 =	sld [smem:$0x3FB3]  }
0x2d: {  	s3 =	simm.s32 $0x108;
	s8 =	sld [smem:$0x3FB4]  }
0x2e: {  	s3 =	simm.s32 @!p0 $0x1082;
	s9 =	sld [smem:$0x3FB5]  }
0x2f: {  	lr =	sadd.s32 s0, s3;
	s0 =	sld [smem:$0x3FAC]  }
0x30: {  	s3 =	sld [smem:$0x3FAF]  }
0x31: {  	[smem:$0x3FB8] =	sst s10  }
0x32: {  	s10 =	sld [smem:$0x3FB6];
	_ =	sdelay $0x3  }
0x33: {  	p0 =	seq.s32 s10, $0x1;
	s10 =	sld [smem:$0x3FB8];
	_ =	sdelay $0x3  }
0x34: {  	[smem:$0x3FB8] =	sst s10  }
0x35: {  	s10 =	sld [smem:$0x3FB7];
	_ =	sdelay $0x3  }
0x36: {  	p1 =	seq.s32 s10, $0x1;
	s10 =	sld [smem:$0x3FB8];
	_ =	sdelay $0x3  }
0x37: {  	[smem:$0x3FB8] =	sst s10  }
0x38: {  	s10 =	sld [smem:$0x3FB9]  }
0x39: {  	_ = 	snop;
	(pc) =	sbr.ind lr, $3  }
0x3a: {  	_ = 	snop  }
0x3b: {  	_ = 	snop  }
0x3c: {  	p2 =	seq.s32 s10, $0x1;
	s10 =	sld [smem:$0x3FB8]  }
0x3d: {  	_ =	shalt  }
0x3e: {  	_ =	shalt  }
0x3f: {  	_ =	shalt  }
0x40: {  	_ =	shalt  }
0x41: {  	_ =	shalt  }
0x42: {  	_ =	shalt  }
0x43: {  	_ =	shalt  }
0x44: {  	_ =	shalt  }
0x45: {  	_ =	shalt  }
0x46: {  	_ =	shalt  }
0x47: {  	_ =	shalt  }
0x48: {  	_ =	shalt  }
0x49: {  	_ =	shalt  }
0x4a: {  	_ =	shalt  }
0x4b: {  	_ =	shalt  }
0x4c: {  	_ =	shalt  }
0x4d: {  	_ =	shalt  }
0x4e: {  	_ =	shalt  }
0x4f: {  	_ =	shalt  }
0x50: {  	_ =	shalt  }
0x51: {  	_ =	shalt  }
0x52: {  	_ =	shalt  }
0x53: {  	_ =	shalt  }
0x54: {  	_ =	shalt  }
0x55: {  	_ =	shalt  }
0x56: {  	_ =	shalt  }
0x57: {  	_ =	shalt  }
0x58: {  	_ =	shalt  }
0x59: {  	_ =	shalt  }
0x5a: {  	_ =	shalt  }
0x5b: {  	_ =	shalt  }
0x5c: {  	_ =	shalt  }
0x5d: {  	_ =	shalt  }
0x5e: {  	_ =	shalt  }
0x5f: {  	_ =	shalt  }
0x60: {  	_ =	shalt  }
0x61: {  	_ =	shalt  }
0x62: {  	_ =	shalt  }
0x63: {  	_ =	shalt  }
0x64: {  	_ =	shalt  }
0x65: {  	_ =	shalt  }
0x66: {  	_ =	shalt  }
0x67: {  	_ =	shalt  }
0x68: {  	_ =	shalt  }
0x69: {  	_ =	shalt  }
0x6a: {  	_ =	shalt  }
0x6b: {  	_ =	shalt  }
0x6c: {  	_ =	shalt  }
0x6d: {  	_ =	shalt  }
0x6e: {  	_ =	shalt  }
0x6f: {  	_ =	shalt  }
0x70: {  	_ =	shalt  }
0x71: {  	_ =	shalt  }
0x72: {  	_ =	shalt  }
0x73: {  	_ =	shalt  }
0x74: {  	_ =	shalt  }
0x75: {  	_ =	shalt  }
0x76: {  	_ =	shalt  }
0x77: {  	_ =	shalt  }
0x78: {  	_ =	shalt  }
0x79: {  	_ =	shalt  }
0x7a: {  	_ =	shalt  }
0x7b: {  	_ =	shalt  }
0x7c: {  	_ =	shalt  }
0x7d: {  	_ =	shalt  }
0x7e: {  	_ =	shalt  }
0x7f: {  	_ =	shalt  }
0x80: {  	_ =	shalt  }
0x81: {  	_ =	shalt  }
0x82: {  	_ =	shalt  }
0x83: {  	_ =	shalt  }
0x84: {  	_ =	shalt  }
0x85: {  	_ =	shalt  }
0x86: {  	_ =	shalt  }
0x87: {  	_ =	shalt  }
.Lfunc_end0:
.L_simem_size_0:
called_computation.1_lowered:
.L_overlay_start_0:
0x88: {  	s2 =	sld [smem:$0x3FD9]  }
0x89: {  	s3 =	sld [smem:$0x3FFE];
	_ =	sdelay $0x1  }
0x8a: {  	s1 =	srdreg.scid  }
0x8b: {  	s0 =	sand.u32 $0x1, s1  }
0x8c: {  	s17 =	sshll.u32 s0, $0xA;
	s2 =	sadd.s32 s3, s2  }
0x8d: {  	s2 =	sadd.s32 s2, s17  }
0x8e: {  	[smem:$0x3FC4] =	sst s2  }
0x8f: {  	_ = 	snop  }
0x90: {  	s2 =	sld [smem:$0x3FD0];
	(tm) =	ssettm $0x1  }
0x91: {  	s18 =	sld [smem:$0x3FFB];
	_ =	sdelay $0x3  }
0x92: {  	_ =	strace s18  }
0x93: {  	s3 =	sld [smem:$0x3FFC];
	_ =	sdelay $0x3  }
0x94: {  	_ =	strace s3  }
0x95: {  	s3 =	sld [smem:$0x3FFD];
	_ =	sdelay $0x3  }
0x96: {  	_ =	strace s3  }
0x97: {  	_ =	strace $0x8FFFFFFF  }
0x98: {  	s19 =	sld [smem:$0x3FDB];
	_ =	sdelay $0x1  }
0x99: {  	s4 =	simm.s32 $_scs_section_size  }
0x9a: {  	s5 =	simm.s32 $_size__tile_overlayer_lowered;
	s6 =	simm.s32 $_tile_overlayer_lowered  }
0x9b: {  	s22 =	simm.s32 $0x1BFF;
	s21 =	sshll.u32 s6, $0x1;
	s3 =	sadd.s32 s4, s19  }
0x9c: {  	s7 =	simm.s32 $0x0;
	s20 =	sshll.u32 s5, $0x1;
	s5 =	sadd.s32 s21, s3  }
0x9d: {  	[timem:s7], [sflag:s22] =	dma.local [hbm:s5], s20  }
0x9e: {  	_ =	swait.ge [sflag:s22], s20  }
0x9f: {  	s4 =	ssub.s32 $0x0, s20;
	[sflag:s22] =	ssyncset.done $0x0  }
0xa0: {  	[sflag:s22] =	ssyncadd.s32 s4;
	_ =	sdelay $0x1  }
0xa1: {  	s23 =	simm.s32 $0x1B8B  }
0xa2: {  	_ =	swait.ge [sflag:s23], $0x1  }
0xa3: {  	[sflag:s23] =	ssyncset.done $0x0  }
0xa4: {  	s25 =	simm.s32 $0x1B8E;
	s24 =	sld [smem:$0x3FFE];
	[sflag:s23] =	ssyncadd.s32 $0xFFFFFFFF  }
0xa5: {  	s26 =	simm.s32 $execute0_lowered;
	[smem:$0x3FD2] =	sst s25  }
0xa6: {  	s5 =	sshll.u32 s26, $0x1;
	_ =	strace $0x80000049;
	[dreg:$0x1] =	wrdreg $0xFFFFFFFF  }
0xa7: {  	s28 =	simm.s32 $_size_execute0_lowered;
	s3 =	sadd.s32 s3, s5;
	[dreg:$0x0] =	wrdreg $0x0  }
0xa8: {  	s5 =	sshll.u32 s28, $0x1;
	[dreg:$0x2] =	wrdreg s3  }
0xa9: {  	[dreg:$0x3] =	wrdreg s5  }
0xaa: {  	[dreg:$0x4] =	wrdreg $0xC0  }
0xab: {  	_ =	task [dreg:s7], $0x5FFFF  }
0xac: {  	[dreg:$0x1] =	wrdreg $0xFFFFFFFF  }
0xad: {  	[dreg:$0x0] =	wrdreg $0x60  }
0xae: {  	[dreg:$0x2] =	wrdreg s24  }
0xaf: {  	[dreg:$0x3] =	wrdreg s2  }
0xb0: {  	[dreg:$0x4] =	wrdreg $0x9  }
0xb1: {  	_ =	task.clear_ibuf [dreg:s7], $0x5FFFF;
	_ =	strace $0x90000049  }
0xb2: {  	s29 =	simm.s32 $0x9;
	_ =	strace $0x8000004B  }
0xb3: {  	_ =	swait.ge [sflag:s29], $0x1  }
0xb4: {  	[sflag:s29] =	ssyncadd.s32 $0xFFFFFFFF  }
0xb5: {  	_ =	strace $0x9000004B  }
0xb6: {  	_ =	sfence  }
0xb7: {  	s30 =	sld [smem:$0x0];
	_ =	sdelay $0x2  }
0xb8: {  	s31 =	sshll.u32 s1, $0xD;
	s1 =	sshrl.u32 s1, $0x2  }
0xb9: {  	s3 =	sand.u32 $0x4000, s31;
	s1 =	sadd.s32 s1, s30  }
0xba: {  	s0 =	sor.u32 s3, s0;
	s1 =	sshll.u32 s1, $0x11  }
0xbb: {  	s0 =	sor.u32 s1, s0  }
0xbc: {  	s0 =	sadd.s32 $0x8F2B, s0  }
0xbd: {  	[sflag:s0] =	ssyncadd.remote.s32 $0x1  }
0xbe: {  	_ =	sfence.sel $0xFFFF  }
0xbf: {  	[dreg:$0x0] =	wrdreg $0xFFFFFFFF;
	(pc) =	sbr.abs _section_cstart, $3  }
0xc0: {  	[dreg:$0x1] =	wrdreg $0xFFFFFFFF  }
0xc1: {  	_ =	task.clear_ibuf [dreg:s7], $0x2FFFF;
	_ =	strace $0x9FFFFFFF  }
0xc2: {  	(tm) =	ssettm $0x7FFFFFFF  }
0xc3: {  	_ =	shalt  }
tec
execute0_lowered:
.L_overlay_start_1:
0x0: {  	(tag) =	ssettag $0x1  }
0x1: {  	s0 =	rddreg [dreg:$0x0];
	s1 =	simm.s32 $0x0  }
0x2: {  	s25 =	srdreg.scid;
	s4 =	stileid.u32;
	s28 =	simm.s32 $0x2  }
0x3: {  	s19 =	simm.s32 $0x80;
	s21 =	simm.s32 $0x2160;
	s15 =	simm.s32 $0xCE0  }
0x4: {  	s16 =	simm.s32 $0x5960;
	s7 =	simm.s32 $0x6160;
	s8 =	simm.s32 $0xDE0  }
0x5: {  	s12 =	simm.s32 $0x6960;
	s17 =	simm.s32 $0x7160;
	s18 =	simm.s32 $0xEE0  }
0x6: {  	s9 =	simm.s32 $0x8160;
	s10 =	simm.s32 $0xFE0;
	s11 =	simm.s32 $0x8960  }
0x7: {  	s14 =	simm.s32 $0x1060;
	s20 =	simm.s32 $0x9160;
	s22 =	simm.s32 $0x10E0  }
0x8: {  	s23 =	simm.s32 $0x9960;
	[smem:$0x7FF] =	sst s1;
	s24 =	sadd.s32 $0x2E9C00, s0  }
0x9: {  	s2 =	sadd.s32 $0x2F6000, s0;
	_ =	strace $0x8000004A;
	[dreg:$0x3] =	wrdreg s24  }
0xa: {  	s5 =	sadd.s32 $0x175800, s0;
	s26 =	sadd.s32 $0x2F5E00, s0;
	[dreg:$0x4] =	wrdreg s2  }
0xb: {  	s1 =	sand.u32 $0x1, s25;
	s6 =	sadd.s32 $0x2F5C00, s0;
	[dreg:$0x5] =	wrdreg s26  }
0xc: {  	s4 =	sshll.u32 s4, $0xD;
	s30 =	sadd.s32 $0x2EDC00, s0;
	[dreg:$0x6] =	wrdreg s6  }
0xd: {  	s0 =	sadd.s32 $0x2F1C00, s0;
	s25 =	simm.s32 $0xA160;
	[dreg:$0x8] =	wrdreg s30  }
0xe: {  	s29 =	ssub.s32 $0x2, s1;
	s1 =	sshll.u32 s1, $0xC;
	[dreg:$0x9] =	wrdreg s0  }
0xf: {  	s6 =	simm.s32 $0xD60;
	s24 =	simm.s32 $0x1;
	s3 =	sshrl.u32 s29, $0x1  }
0x10: {  	s1 =	sor.u32 s1, s4;
	s4 =	simm.s32 $0x0;
	s2 =	ssub.s32 s29, s3  }
0x11: {  	v0 =	vlaneseq.u32;
	[dreg:$0x7] =	wrdreg s1;
	s1 =	simm.s32 $0xE60;
	s31 =	smax.u32 s2, $0x1  }
0x12: {  	v1 =	vimm.f32 $0.0e+00;
	v2 =	vmul.u32 $0x10, v0;
	s3 =	simm.s32 $0xF60;
	s2 =	simm.s32 $0x7960;
	[dreg:$0xa] =	wrdreg s31  }
.LBB2_1:
0x13: {  	[dreg:$0xb] =	wrdreg s4  }
0x14: {  	s0 =	simm.s32 $0x0;
	s31 =	rddreg [dreg:$0x4];
	s13 =	simm.s32 $0x300  }
0x15: {  	[tilespmem:s13], [sflag:$0x2] =	stream.linear.gather [hbm4b:s31+s0], $0x60, $0x38;
	[tilespmem:$0xC160] =	vst v63  }
0x16: {  	_ =	swait.ge [sflag:s28], $0x60  }
0x17: {  	[sflag:s28] =	ssyncset.done $0x0  }
0x18: {  	s29 =	simm.s32 $0x360;
	s26 =	rddreg [dreg:$0x5];
	[sflag:s28] =	ssyncadd.s32 $0xFFFFFFA0  }
0x19: {  	[tilespmem:s29], [sflag:$0x2] =	stream.linear.gather [hbm4b:s26+s0], $0x100, $0x38;
	[tilespmem:$0xC160] =	vst v63  }
0x1a: {  	_ =	swait.ge [sflag:s28], $0x100  }
0x1b: {  	[sflag:s28] =	ssyncset.done $0x0  }
0x1c: {  	s31 =	simm.s32 $0x460;
	s30 =	rddreg [dreg:$0x6];
	[sflag:s28] =	ssyncadd.s32 $0xFFFFFF00  }
0x1d: {  	[tilespmem:s31], [sflag:$0x2] =	stream.linear.gather [hbm4b:s30+s0], $0x100, $0x38;
	[tilespmem:$0xC160] =	vst v63  }
0x1e: {  	_ =	swait.ge [sflag:s28], $0x100  }
0x1f: {  	[sflag:s28] =	ssyncset.done $0x0  }
0x20: {  	s0 =	simm.s32 $0x0;
	[sflag:s28] =	ssyncadd.s32 $0xFFFFFF00  }
.LBB2_2:
0x21: {  	[dreg:$0xc] =	wrdreg s0  }
0x22: {  	s13 =	sshll.u32 s0, $0x8;
	s4 =	rddreg [dreg:$0x7]  }
0x23: {  	s26 =	rddreg [dreg:$0x3];
	s0 =	sadd.s32 s4, s13  }
0x24: {  	[dreg:$0xd] =	wrdreg s0;
	s0 =	sshrl.u32 s0, $0x3  }
0x25: {  	s4 =	sadd.s32 s26, s0;
	s26 =	simm.s32 $0x0  }
0x26: {  	[tilespmem:s26], [sflag:$0x2] =	stream.linear.gather [hbm4b:s4+s26], $0x100, $0x38;
	[tilespmem:$0xC160] =	vst v63  }
0x27: {  	_ =	swait.ge [sflag:s28], $0x100  }
0x28: {  	[sflag:s28] =	ssyncset.done $0x0;
	s29 =	rddreg [dreg:$0x8]  }
0x29: {  	s13 =	simm.s32 $0x100;
	[sflag:s28] =	ssyncadd.s32 $0xFFFFFF00;
	s4 =	sadd.s32 s0, s29  }
0x2a: {  	[tilespmem:s13], [sflag:$0x2] =	stream.linear.gather [hbm4b:s4+s26], $0x100, $0x38;
	[tilespmem:$0xC160] =	vst v63  }
0x2b: {  	_ =	swait.ge [sflag:s28], $0x100  }
0x2c: {  	[sflag:s28] =	ssyncset.done $0x0;
	s30 =	rddreg [dreg:$0x9]  }
0x2d: {  	s31 =	simm.s32 $0x200;
	[sflag:s28] =	ssyncadd.s32 $0xFFFFFF00;
	s0 =	sadd.s32 s0, s30  }
0x2e: {  	[tilespmem:s31], [sflag:$0x2] =	stream.linear.gather [hbm4b:s0+s26], $0x100, $0x38;
	[tilespmem:$0xC160] =	vst v63  }
0x2f: {  	_ =	swait.ge [sflag:s28], $0x100  }
0x30: {  	[sflag:s28] =	ssyncset.done $0x0  }
0x31: {  	[sflag:s28] =	ssyncadd.s32 $0xFFFFFF00  }
0x32: {  	v3 =	vld [tilespmem:$0x300]  }
0x33: {  	v4 =	vld [tilespmem:$0x330];
	_ =	sdelay $0x4  }
0x34: {  	v4 =	vsub.f32 v4, v3;
	_ =	sdelay $0x1  }
0x35: {  	(erf) = vrcp.f32 v4;
	_ =	sdelay $0x1  }
0x36: {  	s0 =	simm.s32 $0x0  }
0x37: {  	v4 =	vld [tilespmem:s0+$0x0];
	_ =	sdelay $0x4  }
0x38: {  	v3 =	vsub.f32 v4, v3  }
0x39: {  	v4 =	vpop (erf)  }
0x3a: {  	v3 =	vmul.f32 v4, v3;
	_ =	sdelay $0x1  }
0x3b: {  	v4 =	vmax.f32 v3, $0.0e+00  }
0x3c: {  	v4 =	vmin.f32 v4, $1.000000000e+00  }
0x3d: {  	[tilespmem:s0+$0x560] =	vst v4  }
0x3e: {  	v4 =	vld [tilespmem:$0x310]  }
0x3f: {  	v5 =	vld [tilespmem:$0x340];
	_ =	sdelay $0x4  }
0x40: {  	v5 =	vsub.f32 v5, v4;
	_ =	sdelay $0x1  }
0x41: {  	(erf) = vrcp.f32 v5;
	_ =	sdelay $0x2  }
0x42: {  	v5 =	vld [tilespmem:s0+$0x100];
	_ =	sdelay $0x4  }
0x43: {  	v4 =	vsub.f32 v5, v4  }
0x44: {  	v5 =	vpop (erf)  }
0x45: {  	v4 =	vmul.f32 v5, v4;
	_ =	sdelay $0x1  }
0x46: {  	v5 =	vmax.f32 v4, $0.0e+00  }
0x47: {  	v5 =	vmin.f32 v5, $1.000000000e+00  }
0x48: {  	[tilespmem:s0+$0x660] =	vst v5  }
0x49: {  	v5 =	vld [tilespmem:$0x320]  }
0x4a: {  	v6 =	vld [tilespmem:$0x350];
	_ =	sdelay $0x4  }
0x4b: {  	v6 =	vsub.f32 v6, v5;
	_ =	sdelay $0x1  }
0x4c: {  	(erf) = vrcp.f32 v6;
	_ =	sdelay $0x2  }
0x4d: {  	v63 =	vld [tilespmem:s0+$0x200];
	_ =	sdelay $0x4  }
0x4e: {  	v5 =	vsub.f32 v63, v5  }
0x4f: {  	vm0 =	vge.f32 v3, $0.0e+00;
	vm1 =	vle.f32 v3, $1.000000000e+00;
	v3 =	vpop (erf)  }
0x50: {  	vm2 =	vge.f32 v4, $0.0e+00;
	vm3 =	vle.f32 v4, $1.000000000e+00;
	v3 =	vmul.f32 v3, v5  }
0x51: {  	vm0 =	vmand vm0, vm1;
	vm1 =	vmand vm2, vm3  }
0x52: {  	vm2 =	vge.f32 v3, $0.0e+00;
	vm3 =	vle.f32 v3, $1.000000000e+00;
	v3 =	vmax.f32 v3, $0.0e+00  }
0x53: {  	s4 =	simm.s32 $0x40;
	vm0 =	vmand vm0, vm1;
	vm1 =	vmand vm2, vm3;
	v3 =	vmin.f32 v3, $1.000000000e+00  }
.LBB2_3:
0x54: {  	p0 =	sne.s32 s4, $0x3C0;
	vm0 =	vmand vm0, vm1;
	[tilespmem:s0+$0x760] =	vst v3;
	s28 =	smov.u32 s4;
	s4 =	sadd.s32 $0x40, s4  }
0x55: {  	v3 =	vsel vm0, $0x3F800000, v1  }
0x56: {  	[tilespmem:s0+$0x860] =	vst v3  }
0x57: {  	v3 =	vld [tilespmem:$0x300]  }
0x58: {  	v4 =	vld [tilespmem:$0x330];
	_ =	sdelay $0x4  }
0x59: {  	v4 =	vsub.f32 v4, v3;
	_ =	sdelay $0x1  }
0x5a: {  	(erf) = vrcp.f32 v4;
	_ =	sdelay $0x1  }
0x5b: {  	s0 =	sshra.s32 s28, $0x2  }
0x5c: {  	v4 =	vld [tilespmem:s0+$0x0];
	_ =	sdelay $0x4  }
0x5d: {  	v3 =	vsub.f32 v4, v3  }
0x5e: {  	v4 =	vpop (erf)  }
0x5f: {  	v3 =	vmul.f32 v4, v3;
	_ =	sdelay $0x1  }
0x60: {  	vm0 =	vge.f32 v3, $0.0e+00;
	vm1 =	vle.f32 v3, $1.000000000e+00;
	v3 =	vmax.f32 v3, $0.0e+00  }
0x61: {  	vm0 =	vmand vm0, vm1;
	v3 =	vmin.f32 v3, $1.000000000e+00  }
0x62: {  	[tilespmem:s0+$0x560] =	vst v3  }
0x63: {  	v3 =	vld [tilespmem:$0x310]  }
0x64: {  	v4 =	vld [tilespmem:$0x340];
	_ =	sdelay $0x4  }
0x65: {  	v4 =	vsub.f32 v4, v3;
	_ =	sdelay $0x1  }
0x66: {  	(erf) = vrcp.f32 v4;
	_ =	sdelay $0x1  }
0x67: {  	v4 =	vld [tilespmem:s0+$0x100];
	_ =	sdelay $0x4  }
0x68: {  	v3 =	vsub.f32 v4, v3;
	_ =	sdelay $0x1  }
0x69: {  	v4 =	vpop (erf)  }
0x6a: {  	v3 =	vmul.f32 v4, v3;
	_ =	sdelay $0x1  }
0x6b: {  	vm1 =	vge.f32 v3, $0.0e+00;
	vm2 =	vle.f32 v3, $1.000000000e+00;
	v3 =	vmax.f32 v3, $0.0e+00  }
0x6c: {  	vm1 =	vmand vm1, vm2;
	v3 =	vmin.f32 v3, $1.000000000e+00  }
0x6d: {  	[tilespmem:s0+$0x660] =	vst v3  }
0x6e: {  	v3 =	vld [tilespmem:$0x320]  }
0x6f: {  	v4 =	vld [tilespmem:$0x350];
	_ =	sdelay $0x4  }
0x70: {  	v4 =	vsub.f32 v4, v3;
	_ =	sdelay $0x1  }
0x71: {  	(erf) = vrcp.f32 v4  }
0x72: {  	v4 =	vld [tilespmem:s0+$0x200];
	_ =	sdelay $0x4  }
0x73: {  	v3 =	vsub.f32 v4, v3;
	_ =	sdelay $0x2  }
.Ltmp0:
0x74: {  	v4 =	vpop (erf);
	(pc) =	sbr.rel @p0 .LBB2_3-.Ltmp0, $4  }
0x75: {  	v3 =	vmul.f32 v4, v3  }
0x76: {  	vm0 =	vmand vm0, vm1  }
0x77: {  	vm1 =	vge.f32 v3, $0.0e+00;
	vm2 =	vle.f32 v3, $1.000000000e+00;
	v3 =	vmax.f32 v3, $0.0e+00  }
0x78: {  	vm1 =	vmand vm1, vm2;
	v3 =	vmin.f32 v3, $1.000000000e+00  }
0x79: {  	vm0 =	vmand vm0, vm1  }
0x7a: {  	[tilespmem:s0+$0x760] =	vst v3;
	v3 =	vsel vm0, $0x3F800000, v1  }
0x7b: {  	[tilespmem:s0+$0x860] =	vst v3  }
.LBB2_5:
0x7c: {  	s0 =	sshll.u32 s26, $0x4  }
0x7d: {  	s28 =	simm.s32 $0x0;
	v7 =	vld [tilespmem:s0+$0x360]  }
0x7e: {  	v3 =	vld [tilespmem:s28+$0x560]  }
0x7f: {  	v4 =	vld [tilespmem:s28+$0x660]  }
0x80: {  	v5 =	vld [tilespmem:s28+$0x760];
	_ =	sdelay $0x2  }
0x81: {  	v6 =	vtrunc.f32 v7;
	v3 =	vmul.f32 v3, v7  }
0x82: {  	v9 =	vmul.f32 v4, v7;
	v8 =	vcvt.f32.s32 v6  }
0x83: {  	v10 =	vmul.f32 v5, v7;
	v4 =	vtrunc.f32 v3  }
0x84: {  	v5 =	vtrunc.f32 v9;
	v6 =	vadd.s32 $0xFFFFFFFF, v8;
	v11 =	vcvt.f32.s32 v4  }
0x85: {  	v4 =	vadd.s32 $0x1, v8;
	v8 =	vtrunc.f32 v10;
	v12 =	vcvt.f32.s32 v5  }
0x86: {  	v8 =	vcvt.f32.s32 v8  }
0x87: {  	v5 =	vmul.u32 v4, v4;
	vm0 =	vlt.s32 v11, v6;
	vm15 =	vlt.s32 v12, v6  }
0x88: {  	v11 =	vsel vm0, v11, v6;
	vm1 =	vlt.s32 v8, v6;
	v12 =	vsel vm15, v12, v6  }
0x89: {  	v13 =	vcvt.s32.f32 v11;
	v14 =	vsel vm1, v8, v6;
	v15 =	vmul.u32 v5, v11  }
0x8a: {  	v8 =	vcvt.s32.f32 v12;
	v17 =	vmul.u32 $0x9E3779B1, v12;
	v12 =	vmul.u32 v4, v12  }
0x8b: {  	v18 =	vmul.u32 $0x30025795, v14;
	v3 =	vsub.f32 v3, v13;
	v13 =	vcvt.s32.f32 v14  }
0x8c: {  	v8 =	vsub.f32 v9, v8;
	v24 =	vadd.s32 v5, v15;
	v25 =	vadd.s32 v4, v12  }
0x8d: {  	v23 =	vadd.s32 $0x30025795, v18;
	v30 =	vadd.s32 v12, v24;
	v31 =	vadd.s32 v15, v25  }
0x8e: {  	v24 =	vadd.s32 v24, v25;
	v25 =	vadd.s32 $0x1, v14;
	v12 =	vadd.s32 v15, v12  }
0x8f: {  	v3 =	vmax.f32 v3, $0.0e+00;
	v9 =	vsub.f32 v10, v13;
	v13 =	vadd.s32 $0x9E3779B1, v17  }
0x90: {  	v8 =	vmax.f32 v8, $0.0e+00;
	v63 =	vadd.s32 v14, v30;
	v32 =	vadd.s32 v14, v31  }
0x91: {  	v33 =	vadd.s32 v14, v24;
	v14 =	vadd.s32 v14, v12;
	v24 =	vadd.s32 v25, v24  }
0x92: {  	v12 =	vadd.s32 v25, v12;
	v10 =	vmin.f32 v3, $1.000000000e+00;
	v3 =	vadd.s32 $0x1, v11  }
0x93: {  	v20 =	vmin.f32 v8, $1.000000000e+00;
	v21 =	vxor.u32 v11, v13;
	v11 =	vxor.u32 v11, v17  }
0x94: {  	v9 =	vmax.f32 v9, $0.0e+00;
	v19 =	vsub.f32 $1.000000000e+00, v10;
	v13 =	vxor.u32 v3, v13  }
0x95: {  	v16 =	vld [tilespmem:s28+$0x860];
	v3 =	vxor.u32 v3, v17;
	v17 =	vsub.f32 $1.000000000e+00, v20;
	v27 =	vxor.u32 v18, v21  }
0x96: {  	v21 =	vxor.u32 v23, v21;
	v29 =	vxor.u32 v18, v11;
	v11 =	vxor.u32 v11, v23  }
0x97: {  	v9 =	vmin.f32 v9, $1.000000000e+00;
	v28 =	vxor.u32 v18, v13;
	v13 =	vxor.u32 v23, v13  }
0x98: {  	v18 =	vxor.u32 v18, v3;
	v3 =	vxor.u32 v3, v23;
	v15 =	vand.u32 $0x7FFFF, v27  }
0x99: {  	v21 =	vand.u32 $0x7FFFF, v21;
	v27 =	vand.u32 $0x7FFFF, v29;
	v11 =	vand.u32 $0x7FFFF, v11  }
0x9a: {  	v8 =	vmul.f32 v9, v16;
	v22 =	vmul.f32 v20, v19;
	v9 =	vsub.f32 $1.000000000e+00, v9  }
0x9b: {  	v23 =	vand.u32 $0x7FFFF, v28;
	v62 =	vand.u32 $0x7FFFF, v18;
	v13 =	vand.u32 $0x7FFFF, v13  }
0x9c: {  	p0 =	slt.s32 s26, $0x5;
	v34 =	vand.u32 $0x7FFFF, v3;
	v18 =	vmul.f32 v17, v19;
	v19 =	vmul.f32 v17, v10  }
0x9d: {  	v3 =	vld [tilespmem:s0+$0x460];
	v15 =	vpsel p0, v32, v15;
	v17 =	vmul.f32 v20, v10;
	v14 =	vpsel p0, v14, v27  }
0x9e: {  	v23 =	vpsel p0, v33, v23;
	v13 =	vpsel p0, v24, v13;
	v20 =	vpsel p0, v63, v62  }
0x9f: {  	v26 =	vmul.f32 v8, v22;
	v35 =	vmul.f32 v9, v16;
	v16 =	vadd.s32 v25, v31  }
0xa0: {  	v9 =	vadd.s32 v25, v30;
	v10 =	vpsel p0, v16, v21;
	v21 =	vpsel p0, v12, v11  }
0xa1: {  	v9 =	vpsel p0, v9, v34;
	v25 =	vmul.f32 v35, v18;
	v24 =	vmul.f32 v35, v19  }
0xa2: {  	v15 =	vadd.s32 v3, v15;
	v16 =	vadd.s32 v3, v23;
	v12 =	vadd.s32 v3, v14  }
0xa3: {  	v14 =	vadd.s32 v3, v10;
	v13 =	vadd.s32 v3, v13;
	v11 =	vadd.s32 v3, v20  }
0xa4: {  	v10 =	vadd.s32 v3, v21;
	v9 =	vadd.s32 v3, v9;
	v23 =	vmul.f32 v35, v22  }
0xa5: {  	s29 =	simm.s32 $0x10;
	s0 =	simm.s32 $0x80;
	[tilespmem:s28+$0x1F60] =	vst v26;
	v21 =	vmul.f32 v35, v17;
	v20 =	vshll.u32 v15, $0x1;
	v22 =	vshll.u32 v16, $0x1  }
.LBB2_6:
0xa6: {  	p1 =	sne.s32 s0, $0x3C0;
	v26 =	vld [tilespmem:s29+$0x560];
	[tilespmem:s28+$0x1960] =	vst v25;
	v18 =	vmul.f32 v8, v18;
	v19 =	vmul.f32 v8, v19;
	v25 =	vshll.u32 v14, $0x1  }
0xa7: {  	v28 =	vshll.u32 v12, $0x1;
	v8 =	vmul.f32 v8, v17;
	v17 =	vshll.u32 v13, $0x1;
	v27 =	vld [tilespmem:s29+$0x660];
	[tilespmem:s28+$0x1A60] =	vst v24  }
0xa8: {  	v29 =	vshll.u32 v11, $0x1;
	v30 =	vshll.u32 v9, $0x1;
	v24 =	vld [tilespmem:s29+$0x760];
	[tilespmem:s28+$0x1B60] =	vst v23;
	v23 =	vshll.u32 v10, $0x1  }
0xa9: {  	v20 =	vand.u32 $0xE, v20;
	v22 =	vand.u32 $0xE, v22;
	[tilespmem:s28+$0x1C60] =	vst v21;
	v21 =	vand.u32 $0xE, v25  }
0xaa: {  	v17 =	vand.u32 $0xE, v17;
	v25 =	vand.u32 $0xE, v28;
	v28 =	vand.u32 $0xE, v29;
	[tilespmem:s28+$0x1D60] =	vst v18  }
0xab: {  	v15 =	vshrl.u32 v15, $0x3;
	v16 =	vshrl.u32 v16, $0x3;
	v18 =	vmul.f32 v26, v7;
	[tilespmem:s28+$0x1E60] =	vst v19  }
0xac: {  	v19 =	vmul.f32 v27, v7;
	[tilespmem:s28+$0x1360] =	vst v20;
	v20 =	vand.u32 $0xE, v23;
	v23 =	vand.u32 $0xE, v30  }
0xad: {  	v14 =	vshrl.u32 v14, $0x3;
	v24 =	vmul.f32 v24, v7;
	v26 =	vtrunc.f32 v18;
	[tilespmem:s28+$0x1460] =	vst v22  }
0xae: {  	v12 =	vshrl.u32 v12, $0x3;
	v13 =	vshrl.u32 v13, $0x3;
	v22 =	vcvt.f32.s32 v26;
	[tilespmem:s28+$0x1760] =	vst v21  }
0xaf: {  	v11 =	vshrl.u32 v11, $0x3;
	v21 =	vtrunc.f32 v19;
	v26 =	vtrunc.f32 v24;
	[tilespmem:s28+$0x1860] =	vst v17  }
0xb0: {  	v17 =	vcvt.f32.s32 v21;
	vm0 =	vlt.s32 v22, v6;
	v21 =	vcvt.f32.s32 v26;
	[tilespmem:s28+$0x2060] =	vst v8  }
0xb1: {  	v9 =	vshrl.u32 v9, $0x3;
	v10 =	vshrl.u32 v10, $0x3;
	v22 =	vsel vm0, v22, v6;
	[tilespmem:s28+$0x1160] =	vst v25  }
0xb2: {  	vm0 =	vlt.s32 v17, v6;
	vm1 =	vlt.s32 v21, v6;
	v8 =	vcvt.s32.f32 v22;
	[tilespmem:s28+$0x1260] =	vst v28  }
0xb3: {  	v17 =	vsel vm0, v17, v6;
	v25 =	vmul.u32 v5, v22;
	v21 =	vsel vm1, v21, v6;
	[tilespmem:s28+$0xB60] =	vst v15  }
0xb4: {  	v15 =	vcvt.s32.f32 v17;
	v8 =	vsub.f32 v18, v8;
	v18 =	vcvt.s32.f32 v21;
	[tilespmem:s28+$0xC60] =	vst v16  }
0xb5: {  	v26 =	vmul.u32 $0x9E3779B1, v17;
	v17 =	vmul.u32 v4, v17;
	v27 =	vmul.u32 $0x30025795, v21;
	v16 =	vld [tilespmem:s29+$0x860];
	[tilespmem:s28+$0x1560] =	vst v20  }
0xb6: {  	v15 =	vsub.f32 v19, v15;
	v8 =	vmax.f32 v8, $0.0e+00;
	v18 =	vsub.f32 v24, v18;
	[tilespmem:s28+$0x1660] =	vst v23  }
0xb7: {  	v19 =	vadd.s32 $0x1, v22;
	v23 =	vadd.s32 $0x9E3779B1, v26;
	v20 =	vmin.f32 v8, $1.000000000e+00;
	[tilespmem:s28+$0xF60] =	vst v14  }
0xb8: {  	v8 =	vmax.f32 v15, $0.0e+00;
	v14 =	vmax.f32 v18, $0.0e+00;
	v15 =	vsub.f32 $1.000000000e+00, v20;
	[tilespmem:s28+$0x1060] =	vst v13  }
0xb9: {  	v13 =	vmin.f32 v8, $1.000000000e+00;
	v18 =	vxor.u32 v22, v23;
	v14 =	vmin.f32 v14, $1.000000000e+00;
	[tilespmem:s28+$0x960] =	vst v12  }
0xba: {  	v12 =	vxor.u32 v19, v23;
	v8 =	vmul.f32 v14, v16;
	v28 =	vmul.f32 v13, v15;
	[tilespmem:s28+$0xA60] =	vst v11  }
0xbb: {  	v24 =	vadd.s32 v4, v17;
	v23 =	vadd.s32 v5, v25;
	v11 =	vadd.s32 $0x30025795, v27;
	[tilespmem:s28+$0xD60] =	vst v10  }
0xbc: {  	v19 =	vxor.u32 v19, v26;
	v10 =	vxor.u32 v22, v26;
	v22 =	vmul.f32 v8, v28;
	[tilespmem:s28+$0xE60] =	vst v9;
	s28 =	smov.u32 s29  }
0xbd: {  	v14 =	vsub.f32 $1.000000000e+00, v14;
	v26 =	vxor.u32 v27, v18;
	v9 =	vsub.f32 $1.000000000e+00, v13  }
0xbe: {  	v29 =	vxor.u32 v27, v12;
	v18 =	vxor.u32 v11, v18;
	v12 =	vxor.u32 v11, v12;
	[tilespmem:s28+$0x1F60] =	vst v22  }
0xbf: {  	v30 =	vadd.s32 v17, v23;
	v22 =	vxor.u32 v27, v10;
	v27 =	vxor.u32 v27, v19  }
0xc0: {  	v31 =	vadd.s32 v25, v24;
	v23 =	vadd.s32 v23, v24;
	v10 =	vxor.u32 v10, v11  }
0xc1: {  	v24 =	vadd.s32 $0x1, v21;
	v17 =	vadd.s32 v25, v17;
	v11 =	vxor.u32 v19, v11  }
0xc2: {  	v25 =	vand.u32 $0x7FFFF, v26;
	v26 =	vand.u32 $0x7FFFF, v29;
	v29 =	vand.u32 $0x7FFFF, v18  }
0xc3: {  	v12 =	vand.u32 $0x7FFFF, v12;
	v22 =	vand.u32 $0x7FFFF, v22;
	v27 =	vand.u32 $0x7FFFF, v27  }
0xc4: {  	v33 =	vadd.s32 v21, v31;
	v32 =	vadd.s32 v21, v30;
	v34 =	vadd.s32 v21, v23  }
0xc5: {  	v30 =	vadd.s32 v24, v30;
	v10 =	vand.u32 $0x7FFFF, v10;
	v11 =	vand.u32 $0x7FFFF, v11  }
0xc6: {  	v21 =	vadd.s32 v21, v17;
	v31 =	vadd.s32 v24, v31;
	v23 =	vadd.s32 v24, v23  }
0xc7: {  	v35 =	vmul.f32 v14, v16;
	v14 =	vadd.s32 v24, v17;
	v18 =	vmul.f32 v9, v15  }
0xc8: {  	v16 =	vpsel p0, v34, v26;
	v19 =	vmul.f32 v9, v20;
	v9 =	vpsel p0, v33, v25  }
0xc9: {  	v17 =	vmul.f32 v13, v20;
	v13 =	vpsel p0, v31, v29;
	v20 =	vpsel p0, v23, v12  }
0xca: {  	v12 =	vpsel p0, v21, v22;
	v21 =	vpsel p0, v32, v27;
	v10 =	vpsel p0, v14, v10  }
.Ltmp1:
0xcb: {  	v16 =	vadd.s32 v3, v16;
	v15 =	vadd.s32 v3, v9;
	v9 =	vpsel p0, v30, v11;
	(pc) =	sbr.rel @p1 .LBB2_6-.Ltmp1, $4  }
0xcc: {  	v14 =	vadd.s32 v3, v13;
	v13 =	vadd.s32 v3, v20;
	v12 =	vadd.s32 v3, v12  }
0xcd: {  	v11 =	vadd.s32 v3, v21;
	v10 =	vadd.s32 v3, v10;
	v9 =	vadd.s32 v3, v9  }
0xce: {  	v25 =	vmul.f32 v35, v18;
	v24 =	vmul.f32 v35, v19;
	v20 =	vshll.u32 v15, $0x1  }
0xcf: {  	s29 =	sshra.s32 s0, $0x2;
	s0 =	sadd.s32 $0x40, s0;
	v23 =	vmul.f32 v35, v28;
	v22 =	vshll.u32 v16, $0x1;
	v21 =	vmul.f32 v35, v17  }
0xd0: {  	v26 =	vld [tilespmem:s29+$0x560];
	[tilespmem:s28+$0x1960] =	vst v25;
	v18 =	vmul.f32 v8, v18;
	v19 =	vmul.f32 v8, v19  }
0xd1: {  	v27 =	vshll.u32 v12, $0x1;
	v8 =	vmul.f32 v8, v17;
	v17 =	vshll.u32 v13, $0x1;
	v25 =	vld [tilespmem:s29+$0x660];
	[tilespmem:s28+$0x1A60] =	vst v24  }
0xd2: {  	v29 =	vshll.u32 v11, $0x1;
	v30 =	vshll.u32 v9, $0x1;
	v20 =	vand.u32 $0xE, v20;
	v28 =	vld [tilespmem:s29+$0x760]  }
0xd3: {  	v15 =	vshrl.u32 v15, $0x3;
	v16 =	vshrl.u32 v16, $0x3;
	v12 =	vshrl.u32 v12, $0x3;
	[tilespmem:s28+$0x1B60] =	vst v23  }
0xd4: {  	v13 =	vshrl.u32 v13, $0x3;
	v9 =	vshrl.u32 v9, $0x3;
	v24 =	vshll.u32 v14, $0x1;
	[tilespmem:s28+$0x1C60] =	vst v21  }
0xd5: {  	v17 =	vand.u32 $0xE, v17;
	v14 =	vshrl.u32 v14, $0x3;
	[tilespmem:s28+$0x1D60] =	vst v18;
	v26 =	vmul.f32 v26, v7  }
0xd6: {  	v23 =	vshll.u32 v10, $0x1;
	v21 =	vand.u32 $0xE, v22;
	[tilespmem:s28+$0x1E60] =	vst v19;
	v19 =	vmul.f32 v25, v7  }
0xd7: {  	[tilespmem:s28+$0x1360] =	vst v20;
	v20 =	vand.u32 $0xE, v23;
	v7 =	vmul.f32 v28, v7;
	v23 =	vtrunc.f32 v26  }
0xd8: {  	v22 =	vand.u32 $0xE, v24;
	v24 =	vand.u32 $0xE, v27;
	[tilespmem:s28+$0x2060] =	vst v8;
	v23 =	vcvt.f32.s32 v23  }
0xd9: {  	v18 =	vand.u32 $0xE, v29;
	v8 =	vshrl.u32 v11, $0x3;
	[tilespmem:s28+$0x1760] =	vst v22;
	v22 =	vtrunc.f32 v7  }
0xda: {  	[tilespmem:s28+$0x1860] =	vst v17;
	v17 =	vtrunc.f32 v19;
	vm0 =	vlt.s32 v23, v6;
	v22 =	vcvt.f32.s32 v22  }
0xdb: {  	v10 =	vshrl.u32 v10, $0x3;
	[tilespmem:s28+$0xC60] =	vst v16;
	v11 =	vcvt.f32.s32 v17;
	v17 =	vsel vm0, v23, v6  }
0xdc: {  	[tilespmem:s28+$0x1460] =	vst v21;
	v21 =	vand.u32 $0xE, v30;
	vm15 =	vlt.s32 v22, v6;
	v23 =	vcvt.s32.f32 v17  }
0xdd: {  	[tilespmem:s28+$0x1260] =	vst v18;
	vm1 =	vlt.s32 v11, v6;
	v16 =	vmul.u32 v5, v17;
	v18 =	vsel vm15, v22, v6  }
0xde: {  	[tilespmem:s28+$0xB60] =	vst v15;
	v6 =	vsel vm1, v11, v6;
	v11 =	vsub.f32 v26, v23;
	v15 =	vcvt.s32.f32 v18  }
0xdf: {  	[tilespmem:s28+$0x1160] =	vst v24;
	v22 =	vcvt.s32.f32 v6;
	v24 =	vmul.u32 $0x9E3779B1, v6;
	v25 =	vmul.u32 $0x30025795, v18  }
0xe0: {  	v6 =	vmul.u32 v4, v6;
	v5 =	vadd.s32 v5, v16;
	v11 =	vmax.f32 v11, $0.0e+00  }
0xe1: {  	v7 =	vsub.f32 v7, v15;
	v15 =	vsub.f32 v19, v22;
	v19 =	vadd.s32 $0x1, v17  }
0xe2: {  	v22 =	vadd.s32 $0x9E3779B1, v24;
	v63 =	vadd.s32 $0x30025795, v25;
	v4 =	vadd.s32 v4, v6  }
0xe3: {  	v32 =	vadd.s32 v6, v5;
	v6 =	vadd.s32 v16, v6;
	v11 =	vmin.f32 v11, $1.000000000e+00  }
0xe4: {  	v27 =	vxor.u32 v17, v22;
	v22 =	vxor.u32 v19, v22;
	v17 =	vxor.u32 v17, v24  }
0xe5: {  	v23 =	vld [tilespmem:s29+$0x860];
	v19 =	vxor.u32 v19, v24;
	v5 =	vadd.s32 v5, v4;
	v4 =	vadd.s32 v16, v4  }
0xe6: {  	[tilespmem:s28+$0x1560] =	vst v20;
	v7 =	vmax.f32 v7, $0.0e+00;
	v15 =	vmax.f32 v15, $0.0e+00;
	v26 =	vsub.f32 $1.000000000e+00, v11  }
0xe7: {  	[tilespmem:s28+$0x1660] =	vst v21;
	v16 =	vxor.u32 v25, v27;
	v20 =	vxor.u32 v25, v22;
	v21 =	vxor.u32 v63, v27  }
0xe8: {  	[tilespmem:s28+$0xF60] =	vst v14;
	v22 =	vxor.u32 v63, v22;
	v14 =	vxor.u32 v25, v17;
	v25 =	vxor.u32 v25, v19  }
0xe9: {  	[tilespmem:s28+$0x1060] =	vst v13;
	v13 =	vxor.u32 v19, v63;
	v7 =	vmin.f32 v7, $1.000000000e+00;
	v15 =	vmin.f32 v15, $1.000000000e+00  }
0xea: {  	v28 =	vmul.f32 v7, v23;
	v31 =	vsub.f32 $1.000000000e+00, v15;
	v7 =	vsub.f32 $1.000000000e+00, v7  }
0xeb: {  	[tilespmem:s28+$0x960] =	vst v12;
	v19 =	vadd.s32 $0x1, v18;
	v12 =	vand.u32 $0x7FFFF, v20;
	v29 =	vmul.f32 v15, v26  }
0xec: {  	[tilespmem:s28+$0xA60] =	vst v8;
	v20 =	vand.u32 $0x7FFFF, v21;
	v7 =	vmul.f32 v7, v23;
	v21 =	vmul.f32 v31, v26  }
0xed: {  	[tilespmem:s28+$0xE60] =	vst v9;
	v9 =	vadd.s32 v18, v4;
	v24 =	vmul.f32 v28, v29;
	v23 =	vmul.f32 v31, v11  }
0xee: {  	[tilespmem:s28+$0xD60] =	vst v10;
	v16 =	vand.u32 $0x7FFFF, v16;
	v14 =	vand.u32 $0x7FFFF, v14;
	v26 =	vmul.f32 v7, v21  }
0xef: {  	v8 =	vand.u32 $0x7FFFF, v25;
	v11 =	vmul.f32 v15, v11;
	[tilespmem:s29+$0x1F60] =	vst v24;
	v15 =	vmul.f32 v7, v23  }
0xf0: {  	v10 =	vand.u32 $0x7FFFF, v22;
	v22 =	vadd.s32 v18, v32;
	v24 =	vmul.f32 v7, v29;
	[tilespmem:s29+$0x1960] =	vst v26  }
0xf1: {  	v25 =	vadd.s32 v18, v5;
	v5 =	vadd.s32 v19, v5;
	v7 =	vmul.f32 v7, v11;
	[tilespmem:s29+$0x1A60] =	vst v15  }
0xf2: {  	v4 =	vadd.s32 v19, v4;
	v5 =	vpsel p0, v5, v10;
	v10 =	vmul.f32 v28, v23;
	[tilespmem:s29+$0x1B60] =	vst v24  }
0xf3: {  	v9 =	vpsel p0, v9, v16;
	v4 =	vpsel p0, v4, v20;
	v11 =	vmul.f32 v28, v11;
	[tilespmem:s29+$0x1C60] =	vst v7  }
0xf4: {  	v18 =	vadd.s32 v18, v6;
	v9 =	vadd.s32 v3, v9;
	v4 =	vadd.s32 v3, v4;
	[tilespmem:s29+$0x1E60] =	vst v10  }
0xf5: {  	v7 =	vpsel p0, v18, v14;
	v14 =	vshll.u32 v9, $0x1;
	[tilespmem:s29+$0x2060] =	vst v11;
	v9 =	vshrl.u32 v9, $0x3  }
0xf6: {  	v15 =	vmul.f32 v28, v21;
	v10 =	vshll.u32 v4, $0x1;
	v4 =	vshrl.u32 v4, $0x3;
	[tilespmem:s29+$0xB60] =	vst v9  }
0xf7: {  	[tilespmem:s29+$0xF60] =	vst v4  }
0xf8: {  	v17 =	vxor.u32 v17, v63;
	v12 =	vpsel p0, v25, v12;
	v14 =	vand.u32 $0xE, v14;
	[tilespmem:s29+$0x1D60] =	vst v15  }
0xf9: {  	v12 =	vadd.s32 v3, v12;
	v5 =	vadd.s32 v3, v5;
	v10 =	vand.u32 $0xE, v10;
	[tilespmem:s29+$0x1360] =	vst v14  }
0xfa: {  	v7 =	vadd.s32 v3, v7;
	v14 =	vshll.u32 v5, $0x1;
	[tilespmem:s29+$0x1760] =	vst v10;
	v5 =	vshrl.u32 v5, $0x3  }
0xfb: {  	v17 =	vand.u32 $0x7FFFF, v17;
	v15 =	vshll.u32 v12, $0x1;
	v4 =	vshrl.u32 v7, $0x3;
	[tilespmem:s29+$0x1060] =	vst v5  }
0xfc: {  	v6 =	vadd.s32 v19, v6;
	v8 =	vpsel p0, v22, v8;
	v15 =	vand.u32 $0xE, v15;
	[tilespmem:s29+$0x960] =	vst v4  }
0xfd: {  	v10 =	vand.u32 $0x7FFFF, v13;
	v13 =	vshll.u32 v7, $0x1;
	v14 =	vand.u32 $0xE, v14;
	[tilespmem:s29+$0x1460] =	vst v15  }
0xfe: {  	v6 =	vpsel p0, v6, v17;
	v11 =	vadd.s32 v19, v32;
	v13 =	vand.u32 $0xE, v13;
	[tilespmem:s29+$0x1860] =	vst v14  }
0xff: {  	v8 =	vadd.s32 v3, v8;
	v10 =	vpsel p0, v11, v10;
	v11 =	vshrl.u32 v12, $0x3;
	[tilespmem:s29+$0x1160] =	vst v13  }
0x100: {  	v6 =	vadd.s32 v3, v6;
	v5 =	vshrl.u32 v8, $0x3;
	[tilespmem:s29+$0xC60] =	vst v11  }
0x101: {  	v4 =	vshrl.u32 v6, $0x3;
	v14 =	vshll.u32 v8, $0x1;
	[tilespmem:s29+$0xA60] =	vst v5  }
0x102: {  	v3 =	vadd.s32 v3, v10;
	v10 =	vshll.u32 v6, $0x1;
	[tilespmem:s29+$0xD60] =	vst v4;
	v14 =	vand.u32 $0xE, v14  }
0x103: {  	v10 =	vand.u32 $0xE, v10;
	[tilespmem:s29+$0x1260] =	vst v14  }
0x104: {  	v9 =	vshll.u32 v3, $0x1;
	v3 =	vshrl.u32 v3, $0x3;
	[tilespmem:s29+$0x1560] =	vst v10  }
0x105: {  	v9 =	vand.u32 $0xE, v9;
	[tilespmem:s29+$0xE60] =	vst v3  }
0x106: {  	s0 =	simm.s32 $0x960;
	[tilespmem:s29+$0x1660] =	vst v9  }
0x107: {  	[tilespmem:s21], [sflag:$0x1] =	stream.indirect.gather [hbm4b:s5+s19], $0x10, s0, s19, $0xb8;
	[tilespmem:$0xC160] =	vst v63  }
0x108: {  	s13 =	simm.s32 $0x9E0;
	s4 =	simm.s32 $0x2960  }
0x109: {  	[tilespmem:s4], [sflag:$0x1] =	stream.indirect.gather [hbm4b:s5+s19], $0x10, s13, s19, $0xb8;
	[tilespmem:$0xC160] =	vst v63  }
0x10a: {  	s4 =	simm.s32 $0xA60;
	s13 =	simm.s32 $0x3160  }
0x10b: {  	[tilespmem:s13], [sflag:$0x1] =	stream.indirect.gather [hbm4b:s5+s19], $0x10, s4, s19, $0xb8;
	[tilespmem:$0xC160] =	vst v63  }
0x10c: {  	s4 =	simm.s32 $0xAE0;
	s13 =	simm.s32 $0x3960  }
0x10d: {  	[tilespmem:s13], [sflag:$0x1] =	stream.indirect.gather [hbm4b:s5+s19], $0x10, s4, s19, $0xb8;
	[tilespmem:$0xC160] =	vst v63  }
0x10e: {  	s4 =	simm.s32 $0xB60;
	s13 =	simm.s32 $0x4160  }
0x10f: {  	[tilespmem:s13], [sflag:$0x1] =	stream.indirect.gather [hbm4b:s5+s19], $0x10, s4, s19, $0xb8;
	[tilespmem:$0xC160] =	vst v63  }
0x110: {  	s4 =	simm.s32 $0xBE0;
	s13 =	simm.s32 $0x4960  }
0x111: {  	[tilespmem:s13], [sflag:$0x1] =	stream.indirect.gather [hbm4b:s5+s19], $0x10, s4, s19, $0xb8;
	[tilespmem:$0xC160] =	vst v63  }
0x112: {  	s4 =	simm.s32 $0xC60;
	s13 =	simm.s32 $0x5160  }
0x113: {  	[tilespmem:s13], [sflag:$0x1] =	stream.indirect.gather [hbm4b:s5+s19], $0x10, s4, s19, $0xb8;
	[tilespmem:$0xC160] =	vst v63  }
0x114: {  	_ = 	snop  }
0x115: {  	[tilespmem:s16], [sflag:$0x1] =	stream.indirect.gather [hbm4b:s5+s19], $0x10, s15, s19, $0xb8;
	[tilespmem:$0xC160] =	vst v63  }
0x116: {  	_ = 	snop  }
0x117: {  	[tilespmem:s7], [sflag:$0x1] =	stream.indirect.gather [hbm4b:s5+s19], $0x10, s6, s19, $0xb8;
	[tilespmem:$0xC160] =	vst v63  }
0x118: {  	_ = 	snop  }
0x119: {  	[tilespmem:s12], [sflag:$0x1] =	stream.indirect.gather [hbm4b:s5+s19], $0x10, s8, s19, $0xb8;
	[tilespmem:$0xC160] =	vst v63  }
0x11a: {  	_ = 	snop  }
0x11b: {  	[tilespmem:s17], [sflag:$0x1] =	stream.indirect.gather [hbm4b:s5+s19], $0x10, s1, s19, $0xb8;
	[tilespmem:$0xC160] =	vst v63  }
0x11c: {  	_ = 	snop  }
0x11d: {  	[tilespmem:s2], [sflag:$0x1] =	stream.indirect.gather [hbm4b:s5+s19], $0x10, s18, s19, $0xb8;
	[tilespmem:$0xC160] =	vst v63  }
0x11e: {  	_ = 	snop  }
0x11f: {  	[tilespmem:s9], [sflag:$0x1] =	stream.indirect.gather [hbm4b:s5+s19], $0x10, s3, s19, $0xb8;
	[tilespmem:$0xC160] =	vst v63  }
0x120: {  	_ = 	snop  }
0x121: {  	[tilespmem:s11], [sflag:$0x1] =	stream.indirect.gather [hbm4b:s5+s19], $0x10, s10, s19, $0xb8;
	[tilespmem:$0xC160] =	vst v63  }
0x122: {  	_ = 	snop  }
0x123: {  	[tilespmem:s20], [sflag:$0x1] =	stream.indirect.gather [hbm4b:s5+s19], $0x10, s14, s19, $0xb8;
	[tilespmem:$0xC160] =	vst v63  }
0x124: {  	_ = 	snop  }
0x125: {  	[tilespmem:s23], [sflag:$0x1] =	stream.indirect.gather [hbm4b:s5+s19], $0x10, s22, s19, $0xb8;
	[tilespmem:$0xC160] =	vst v63  }
0x126: {  	_ =	swait.ge [sflag:s24], $0x800  }
0x127: {  	[sflag:s24] =	ssyncset.done $0x0  }
0x128: {  	[sflag:s24] =	ssyncadd.s32 $0xFFFFF800  }
0x129: {  	_ =	swait.ge [sflag:s24], $0x800  }
0x12a: {  	[sflag:s24] =	ssyncset.done $0x0  }
0x12b: {  	[sflag:s24] =	ssyncadd.s32 $0xFFFFF800  }
0x12c: {  	_ =	swait.ge [sflag:s24], $0x800  }
0x12d: {  	[sflag:s24] =	ssyncset.done $0x0  }
0x12e: {  	[sflag:s24] =	ssyncadd.s32 $0xFFFFF800  }
0x12f: {  	_ =	swait.ge [sflag:s24], $0x800  }
0x130: {  	[sflag:s24] =	ssyncset.done $0x0  }
0x131: {  	[sflag:s24] =	ssyncadd.s32 $0xFFFFF800  }
0x132: {  	_ =	swait.ge [sflag:s24], $0x800  }
0x133: {  	[sflag:s24] =	ssyncset.done $0x0  }
0x134: {  	[sflag:s24] =	ssyncadd.s32 $0xFFFFF800  }
0x135: {  	_ =	swait.ge [sflag:s24], $0x800  }
0x136: {  	[sflag:s24] =	ssyncset.done $0x0  }
0x137: {  	[sflag:s24] =	ssyncadd.s32 $0xFFFFF800  }
0x138: {  	_ =	swait.ge [sflag:s24], $0x800  }
0x139: {  	[sflag:s24] =	ssyncset.done $0x0  }
0x13a: {  	[sflag:s24] =	ssyncadd.s32 $0xFFFFF800  }
0x13b: {  	_ =	swait.ge [sflag:s24], $0x800  }
0x13c: {  	[sflag:s24] =	ssyncset.done $0x0  }
0x13d: {  	[sflag:s24] =	ssyncadd.s32 $0xFFFFF800  }
0x13e: {  	_ =	swait.ge [sflag:s24], $0x800  }
0x13f: {  	[sflag:s24] =	ssyncset.done $0x0  }
0x140: {  	[sflag:s24] =	ssyncadd.s32 $0xFFFFF800  }
0x141: {  	_ =	swait.ge [sflag:s24], $0x800  }
0x142: {  	[sflag:s24] =	ssyncset.done $0x0  }
0x143: {  	[sflag:s24] =	ssyncadd.s32 $0xFFFFF800  }
0x144: {  	_ =	swait.ge [sflag:s24], $0x800  }
0x145: {  	[sflag:s24] =	ssyncset.done $0x0  }
0x146: {  	[sflag:s24] =	ssyncadd.s32 $0xFFFFF800  }
0x147: {  	_ =	swait.ge [sflag:s24], $0x800  }
0x148: {  	[sflag:s24] =	ssyncset.done $0x0  }
0x149: {  	[sflag:s24] =	ssyncadd.s32 $0xFFFFF800  }
0x14a: {  	_ =	swait.ge [sflag:s24], $0x800  }
0x14b: {  	[sflag:s24] =	ssyncset.done $0x0  }
0x14c: {  	[sflag:s24] =	ssyncadd.s32 $0xFFFFF800  }
0x14d: {  	_ =	swait.ge [sflag:s24], $0x800  }
0x14e: {  	[sflag:s24] =	ssyncset.done $0x0  }
0x14f: {  	[sflag:s24] =	ssyncadd.s32 $0xFFFFF800  }
0x150: {  	_ =	swait.ge [sflag:s24], $0x800  }
0x151: {  	[sflag:s24] =	ssyncset.done $0x0  }
0x152: {  	s0 =	simm.s32 $0x700;
	s13 =	simm.s32 $0x0;
	[sflag:s24] =	ssyncadd.s32 $0xFFFFF800  }
0x153: {  	v11 =	vmov s0;
	v6 =	vor.u32 s13, v0;
	s13 =	simm.s32 $0x200;
	_ =	swait.ge [sflag:s24], $0x800  }
0x154: {  	v11 =	vshll.u32 v11, $0x4;
	s4 =	sshll.u32 s26, $0x1;
	v7 =	vmov s13;
	[sflag:s24] =	ssyncset.done $0x0  }
0x155: {  	s29 =	simm.s32 $0x1560;
	v3 =	vmov s4;
	s4 =	simm.s32 $0x100;
	v5 =	vshll.u32 v6, $0x5;
	v7 =	vshll.u32 v7, $0x4;
	[sflag:s24] =	ssyncadd.s32 $0xFFFFF800  }
0x156: {  	v8 =	vshll.u32 v6, $0x4;
	v6 =	vmov s4;
	s4 =	simm.s32 $0x300;
	v10 =	vor.u32 v2, v7;
	v7 =	vld [tilespmem:s29+$0x300]  }
0x157: {  	v11 =	vor.u32 v2, v11;
	s13 =	simm.s32 $0x400;
	v6 =	vshll.u32 v6, $0x4;
	v9 =	vmov s4;
	v21 =	vld [tilespmem:s29+$0xFFFFFC00]  }
0x158: {  	s4 =	simm.s32 $0x500;
	v14 =	vor.u32 v2, v6;
	v6 =	vshll.u32 v9, $0x4;
	v9 =	vmov s13;
	v22 =	vld [tilespmem:s29+$0xFFFFFD00]  }
0x159: {  	s13 =	simm.s32 $0x600;
	v12 =	vor.u32 v2, v6;
	v6 =	vshll.u32 v9, $0x4;
	v9 =	vmov s4  }
0x15a: {  	v15 =	vor.u32 v2, v6;
	v6 =	vshll.u32 v9, $0x4;
	v9 =	vmov s13  }
0x15b: {  	v4 =	vor.u32 $0x1, v3;
	v13 =	vor.u32 v2, v6;
	v18 =	vshll.u32 v9, $0x4;
	v19 =	vld [tilespmem:s29+$0x200]  }
0x15c: {  	v17 =	vld [tilespmem:s29+$0xFFFFFE00];
	v6 =	vand.u32 $0xFFFFFFF8, v7;
	v24 =	vand.u32 $0x7, v7;
	v9 =	vadd.s32 $0x1, v7  }
0x15d: {  	s28 =	simm.s32 $0x1D60;
	v20 =	vld [tilespmem:s29+$0x0];
	v25 =	vand.u32 $0x7, v21;
	v16 =	vand.u32 $0x7, v22;
	v23 =	vadd.s32 $0x1, v22  }
0x15e: {  	v7 =	vld [tilespmem:s28+$0x200];
	v26 =	vadd.s32 v11, v6;
	v28 =	vand.u32 $0xFFFFFFF8, v9;
	v6 =	vand.u32 $0xFFFFFFF8, v21  }
0x15f: {  	s31 =	simm.s32 $0x710;
	s30 =	simm.s32 $0x1560;
	s0 =	simm.s32 $0x1D60;
	v9 =	vand.u32 $0x7, v9;
	v27 =	vadd.s32 v8, v6;
	v6 =	vld [tilespmem:s28+$0x100];
	v11 =	vadd.s32 v11, v28  }
.LBB2_8:
0x160: {  	p0 =	sne.s32 s31, $0x7F0;
	v21 =	vadd.s32 $0x1, v21;
	v22 =	vand.u32 $0xFFFFFFF8, v22;
	v28 =	vld [tilespmem:s28+$0x0];
	v24 =	vor.u32 v24, v26;
	s0 =	sadd.s32 $0x10, s0;
	s29 =	sadd.s32 $0x10, s29  }
0x161: {  	v25 =	vor.u32 v25, v27;
	v27 =	vand.u32 $0x7, v23;
	s4 =	smov.u32 s31;
	s31 =	sadd.s32 $0x10, s31;
	v26 =	vand.u32 $0x7, v21;
	v29 =	vld [tilespmem:s28+$0xFFFFFF00]  }
0x162: {  	v32 =	vadd.s32 $0x1, v19;
	v21 =	vand.u32 $0xFFFFFFF8, v21;
	v30 =	vld [tilespmem:s28+$0xFFFFFC00];
	v31 =	vand.u32 $0x7, v20  }
0x163: {  	v34 =	vand.u32 $0x7, v19;
	v35 =	vand.u32 $0xFFFFFFF8, v32;
	v33 =	vadd.s32 $0x1, v20  }
0x164: {  	v19 =	vand.u32 $0xFFFFFFF8, v19;
	v22 =	vadd.s32 v14, v22;
	v20 =	vand.u32 $0xFFFFFFF8, v20  }
0x165: {  	v23 =	vand.u32 $0xFFFFFFF8, v23;
	v20 =	vadd.s32 v15, v20;
	v37 =	vand.u32 $0xFFFFFFF8, v33;
	v36 =	vld [tilespmem:s30+$0xFFFFFF00]  }
0x166: {  	v14 =	vadd.s32 v14, v23;
	v23 =	vand.u32 $0x7, v33;
	v15 =	vadd.s32 v15, v37  }
0x167: {  	v18 =	vor.u32 v2, v18;
	v14 =	vor.u32 v27, v14;
	v15 =	vor.u32 v23, v15  }
0x168: {  	v19 =	vadd.s32 v18, v19;
	v8 =	vadd.s32 v8, v21;
	v18 =	vadd.s32 v18, v35;
	v21 =	vld [tilespmem:s28+$0xFFFFFD00]  }
0x169: {  	v27 =	vand.u32 $0x7, v17;
	v23 =	vand.u32 $0xFFFFFFF8, v17;
	v17 =	vadd.s32 $0x1, v17  }
0x16a: {  	v20 =	vor.u32 v31, v20;
	v23 =	vadd.s32 v10, v23;
	v33 =	vand.u32 $0x7, v17  }
0x16b: {  	v19 =	vor.u32 v34, v19;
	v8 =	vor.u32 v26, v8;
	v23 =	vor.u32 v27, v23;
	v26 =	vld [tilespmem:s30+$0x100];
	s30 =	smov.u32 s29  }
0x16c: {  	v27 =	vand.u32 $0xFFFFFFF8, v36;
	v31 =	vand.u32 $0x7, v36;
	v34 =	vadd.s32 $0x1, v36;
	v15 =	vld.idx.msk [tilespmem:v15+s21+$0x0], $0xffff  }
0x16d: {  	v17 =	vand.u32 $0xFFFFFFF8, v17;
	v27 =	vadd.s32 v12, v27;
	v35 =	vand.u32 $0xFFFFFFF8, v34;
	v25 =	vld.idx.msk [tilespmem:v25+s21+$0x0], $0xffff  }
0x16e: {  	v27 =	vor.u32 v31, v27;
	v31 =	vand.u32 $0x7, v34;
	v12 =	vadd.s32 v12, v35  }
0x16f: {  	v16 =	vor.u32 v16, v22;
	v10 =	vadd.s32 v10, v17;
	v12 =	vor.u32 v31, v12;
	v22 =	vld [tilespmem:s28+$0xFFFFFE00]  }
0x170: {  	v8 =	vld.idx.msk [tilespmem:v8+s21+$0x0], $0xffff;
	v17 =	vand.u32 $0xFFFFFFF8, v26;
	v31 =	vand.u32 $0x7, v26;
	v26 =	vadd.s32 $0x1, v26  }
0x171: {  	v14 =	vld.idx.msk [tilespmem:v14+s21+$0x0], $0xffff;
	v17 =	vadd.s32 v13, v17;
	v34 =	vand.u32 $0xFFFFFFF8, v26;
	v26 =	vand.u32 $0x7, v26  }
0x172: {  	v10 =	vor.u32 v33, v10;
	v20 =	vld.idx.msk [tilespmem:v20+s21+$0x0], $0xffff;
	v17 =	vor.u32 v31, v17;
	v13 =	vadd.s32 v13, v34  }
0x173: {  	v15 =	vmul.f32 v15, v28;
	v23 =	vld.idx.msk [tilespmem:v23+s21+$0x0], $0xffff;
	v13 =	vor.u32 v26, v13;
	v26 =	vand.u32 $0x7, v32  }
0x174: {  	s13 =	sadd.s32 $0xFFFFF900, s4;
	v25 =	vmul.f32 v25, v30;
	v27 =	vld.idx.msk [tilespmem:v27+s21+$0x0], $0xffff;
	v18 =	vor.u32 v26, v18  }
0x175: {  	v26 =	vor.u32 s13, v0;
	v16 =	vld.idx.msk [tilespmem:v16+s21+$0x0], $0xffff  }
0x176: {  	s13 =	sadd.s32 $0xFFFFFA00, s4;
	v25 =	vadd.f32 $0.0e+00, v25;
	v31 =	vshll.u32 v26, $0x5;
	v30 =	vmul.f32 v8, v30;
	v12 =	vld.idx.msk [tilespmem:v12+s21+$0x0], $0xffff  }
0x177: {  	v8 =	vshll.u32 v26, $0x4;
	v26 =	vmov s13;
	v14 =	vmul.f32 v14, v21;
	v10 =	vld.idx.msk [tilespmem:v10+s21+$0x0], $0xffff  }
0x178: {  	v30 =	vadd.f32 $0.0e+00, v30;
	v24 =	vld.idx.msk [tilespmem:v24+s21+$0x0], $0xffff  }
0x179: {  	s13 =	sadd.s32 $0xFFFFFB00, s4;
	v20 =	vmul.f32 v20, v28;
	v18 =	vld.idx.msk [tilespmem:v18+s21+$0x0], $0xffff  }
0x17a: {  	v28 =	vmov s13;
	v30 =	vadd.f32 v14, v30;
	v27 =	vmul.f32 v27, v29;
	v19 =	vld.idx.msk [tilespmem:v19+s21+$0x0], $0xffff  }
0x17b: {  	v14 =	vshll.u32 v26, $0x4;
	v16 =	vmul.f32 v16, v21;
	v17 =	vld.idx.msk [tilespmem:v17+s21+$0x0], $0xffff  }
0x17c: {  	v9 =	vor.u32 v9, v11;
	v21 =	vmul.f32 v23, v22;
	v12 =	vmul.f32 v12, v29;
	v13 =	vld.idx.msk [tilespmem:v13+s21+$0x0], $0xffff  }
0x17d: {  	v11 =	vshll.u32 v28, $0x4;
	v16 =	vadd.f32 v16, v25;
	v10 =	vmul.f32 v10, v22  }
0x17e: {  	s13 =	sadd.s32 $0xFFFFFC00, s4;
	v14 =	vor.u32 v2, v14  }
0x17f: {  	v16 =	vadd.f32 v21, v16;
	v10 =	vadd.f32 v10, v30;
	v18 =	vmul.f32 v18, v7;
	v21 =	vld [tilespmem:s28+$0x300];
	s28 =	smov.u32 s0  }
0x180: {  	v22 =	vmov s13;
	v7 =	vmul.f32 v19, v7;
	v19 =	vor.u32 v5, v4  }
0x181: {  	s13 =	sadd.s32 $0xFFFFFD00, s4;
	v16 =	vadd.f32 v27, v16;
	v12 =	vadd.f32 v12, v10;
	v17 =	vmul.f32 v17, v6  }
0x182: {  	v10 =	vor.u32 v2, v11;
	v11 =	vshll.u32 v22, $0x4;
	v22 =	vor.u32 v3, v5;
	v5 =	vmovc v31;
	v9 =	vld.idx.msk [tilespmem:v9+s21+$0x0], $0xffff  }
0x183: {  	v23 =	vmov s13;
	v6 =	vmul.f32 v13, v6;
	v16 =	vadd.f32 v20, v16  }
0x184: {  	v13 =	vmov s4;
	v15 =	vadd.f32 v15, v12;
	v20 =	vmul.f32 v24, v21  }
0x185: {  	s13 =	sadd.s32 $0xFFFFFE00, s4;
	v12 =	vor.u32 v2, v11;
	v11 =	vshll.u32 v23, $0x4;
	v16 =	vadd.f32 v17, v16  }
0x186: {  	v13 =	vshll.u32 v13, $0x4;
	v17 =	vmov s13;
	v6 =	vadd.f32 v6, v15  }
0x187: {  	v15 =	vor.u32 v2, v11;
	v11 =	vor.u32 v2, v13;
	v7 =	vadd.f32 v7, v16  }
0x188: {  	v6 =	vadd.f32 v18, v6;
	v9 =	vmul.f32 v9, v21  }
0x189: {  	s4 =	sadd.s32 $0xFFFFFF00, s4;
	v13 =	vshll.u32 v17, $0x4;
	v7 =	vadd.f32 v20, v7  }
0x18a: {  	v6 =	vadd.f32 v9, v6  }
0x18b: {  	[tilespmem:v22+s25+$0x0] =	vst.idx.msk $0xffff, v7  }
0x18c: {  	[tilespmem:v19+s25+$0x0] =	vst.idx.msk $0xffff, v6  }
0x18d: {  	v13 =	vor.u32 v2, v13;
	v6 =	vld [tilespmem:s29+$0x300]  }
0x18e: {  	v7 =	vmov s4;
	v21 =	vld [tilespmem:s29+$0xFFFFFC00]  }
0x18f: {  	v22 =	vld [tilespmem:s29+$0xFFFFFD00]  }
0x190: {  	v18 =	vshll.u32 v7, $0x4  }
.Ltmp2:
0x191: {  	v19 =	vld [tilespmem:s29+$0x200];
	(pc) =	sbr.rel @p0 .LBB2_8-.Ltmp2, $4  }
0x192: {  	v17 =	vld [tilespmem:s29+$0xFFFFFE00];
	v7 =	vand.u32 $0xFFFFFFF8, v6;
	v24 =	vand.u32 $0x7, v6;
	v6 =	vadd.s32 $0x1, v6  }
0x193: {  	v25 =	vand.u32 $0x7, v21;
	v20 =	vld [tilespmem:s29+$0x0];
	v26 =	vadd.s32 v11, v7;
	v28 =	vand.u32 $0xFFFFFFF8, v6  }
0x194: {  	v23 =	vand.u32 $0xFFFFFFF8, v21;
	v9 =	vand.u32 $0x7, v6;
	v16 =	vand.u32 $0x7, v22;
	v7 =	vld [tilespmem:s0+$0x200]  }
0x195: {  	v27 =	vadd.s32 v8, v23;
	v23 =	vadd.s32 $0x1, v22;
	v11 =	vadd.s32 v11, v28;
	v6 =	vld [tilespmem:s0+$0x100]  }
0x196: {  	v21 =	vadd.s32 $0x1, v21;
	v22 =	vand.u32 $0xFFFFFFF8, v22;
	v24 =	vor.u32 v24, v26  }
0x197: {  	v25 =	vor.u32 v25, v27;
	v47 =	vand.u32 $0x7, v23;
	v29 =	vadd.s32 $0x1, v19  }
0x198: {  	v31 =	vand.u32 $0x7, v19;
	v49 =	vand.u32 $0xFFFFFFF8, v23;
	v50 =	vand.u32 $0xFFFFFFF8, v19  }
0x199: {  	v18 =	vor.u32 v2, v18;
	v46 =	vand.u32 $0x7, v21;
	v21 =	vand.u32 $0xFFFFFFF8, v21  }
0x19a: {  	v32 =	vand.u32 $0xFFFFFFF8, v29;
	v22 =	vadd.s32 v14, v22;
	v51 =	vadd.s32 v14, v49  }
0x19b: {  	v34 =	vld [tilespmem:s28+$0x0];
	v19 =	vadd.s32 v18, v50;
	v55 =	vand.u32 $0xFFFFFFF8, v17;
	v57 =	vand.u32 $0x7, v17  }
0x19c: {  	v35 =	vld [tilespmem:s30+$0xFFFFFF00];
	v58 =	vadd.s32 $0x1, v17;
	v28 =	vand.u32 $0x7, v20;
	v30 =	vadd.s32 $0x1, v20  }
0x19d: {  	v54 =	vld [tilespmem:s28+$0xFFFFFC00];
	v48 =	vand.u32 $0xFFFFFFF8, v20;
	v14 =	vor.u32 v47, v51;
	v8 =	vadd.s32 v8, v21  }
0x19e: {  	v56 =	vld [tilespmem:s28+$0xFFFFFD00];
	v21 =	vadd.s32 v10, v55;
	v59 =	vand.u32 $0x7, v58;
	v16 =	vor.u32 v16, v22  }
0x19f: {  	v36 =	vld [tilespmem:s30+$0x100];
	v17 =	vand.u32 $0xFFFFFFF8, v58;
	v33 =	vand.u32 $0xFFFFFFF8, v30;
	v8 =	vor.u32 v46, v8  }
0x1a0: {  	v37 =	vld [tilespmem:s28+$0xFFFFFE00];
	v30 =	vand.u32 $0x7, v30;
	v53 =	vadd.s32 v15, v48;
	v33 =	vadd.s32 v15, v33  }
0x1a1: {  	v21 =	vor.u32 v57, v21;
	v62 =	vadd.s32 v10, v17;
	v52 =	vor.u32 v30, v33;
	v30 =	vld [tilespmem:s28+$0xFFFFFF00]  }
0x1a2: {  	v60 =	vand.u32 $0xFFFFFFF8, v35;
	v61 =	vand.u32 $0x7, v35;
	v35 =	vadd.s32 $0x1, v35;
	v25 =	vld.idx.msk [tilespmem:v25+s21+$0x0], $0xffff  }
0x1a3: {  	v10 =	vor.u32 v59, v62;
	v49 =	vld.idx.msk [tilespmem:v24+s21+$0x0], $0xffff;
	v63 =	vadd.s32 v12, v60;
	v40 =	vand.u32 $0xFFFFFFF8, v35  }
0x1a4: {  	v41 =	vand.u32 $0x7, v35;
	v17 =	vor.u32 v61, v63;
	v42 =	vadd.s32 v12, v40;
	v8 =	vld.idx.msk [tilespmem:v8+s21+$0x0], $0xffff  }
0x1a5: {  	v18 =	vadd.s32 v18, v32;
	v15 =	vor.u32 v28, v53;
	v16 =	vld.idx.msk [tilespmem:v16+s21+$0x0], $0xffff;
	v12 =	vor.u32 v41, v42  }
0x1a6: {  	v43 =	vand.u32 $0xFFFFFFF8, v36;
	v44 =	vand.u32 $0x7, v36;
	v45 =	vadd.s32 $0x1, v36;
	v14 =	vld.idx.msk [tilespmem:v14+s21+$0x0], $0xffff  }
0x1a7: {  	v22 =	vadd.s32 v13, v43;
	v46 =	vand.u32 $0xFFFFFFF8, v45;
	v28 =	vand.u32 $0x7, v45;
	v21 =	vld.idx.msk [tilespmem:v21+s21+$0x0], $0xffff  }
0x1a8: {  	v22 =	vor.u32 v44, v22;
	v47 =	vadd.s32 v13, v46;
	v10 =	vld.idx.msk [tilespmem:v10+s21+$0x0], $0xffff;
	v25 =	vmul.f32 v25, v54  }
0x1a9: {  	v19 =	vor.u32 v31, v19;
	v13 =	vor.u32 v28, v47;
	v17 =	vld.idx.msk [tilespmem:v17+s21+$0x0], $0xffff;
	v8 =	vmul.f32 v8, v54  }
0x1aa: {  	v48 =	vand.u32 $0x7, v29;
	v25 =	vadd.f32 $0.0e+00, v25;
	v16 =	vmul.f32 v16, v56;
	v12 =	vld.idx.msk [tilespmem:v12+s21+$0x0], $0xffff  }
0x1ab: {  	v18 =	vor.u32 v48, v18;
	v15 =	vld.idx.msk [tilespmem:v15+s21+$0x0], $0xffff;
	v14 =	vmul.f32 v14, v56;
	v8 =	vadd.f32 $0.0e+00, v8  }
0x1ac: {  	v23 =	vld.idx.msk [tilespmem:v52+s21+$0x0], $0xffff;
	v21 =	vmul.f32 v21, v37;
	v16 =	vadd.f32 v16, v25  }
0x1ad: {  	v9 =	vor.u32 v9, v11;
	v50 =	vld.idx.msk [tilespmem:v22+s21+$0x0], $0xffff;
	v10 =	vmul.f32 v10, v37;
	v8 =	vadd.f32 v14, v8  }
0x1ae: {  	v13 =	vld.idx.msk [tilespmem:v13+s21+$0x0], $0xffff;
	v16 =	vadd.f32 v21, v16;
	v51 =	vmul.f32 v17, v30  }
0x1af: {  	v52 =	vld.idx.msk [tilespmem:v19+s21+$0x0], $0xffff;
	v12 =	vmul.f32 v12, v30;
	v8 =	vadd.f32 v10, v8  }
0x1b0: {  	v54 =	vld.idx.msk [tilespmem:v18+s21+$0x0], $0xffff;
	v53 =	vmul.f32 v15, v34;
	v11 =	vadd.f32 v51, v16  }
0x1b1: {  	v56 =	vld [tilespmem:s28+$0x300];
	v55 =	vmul.f32 v23, v34;
	v8 =	vadd.f32 v12, v8  }
0x1b2: {  	v9 =	vld.idx.msk [tilespmem:v9+s21+$0x0], $0xffff;
	v57 =	vmul.f32 v50, v6;
	v10 =	vadd.f32 v53, v11  }
0x1b3: {  	v58 =	vmul.f32 v13, v6;
	v8 =	vadd.f32 v55, v8  }
0x1b4: {  	v59 =	vmul.f32 v52, v7;
	v10 =	vadd.f32 v57, v10  }
0x1b5: {  	v3 =	vor.u32 v3, v5;
	s26 =	sadd.s32 $0x1, s26;
	v60 =	vmul.f32 v54, v7;
	v6 =	vadd.f32 v58, v8  }
0x1b6: {  	v4 =	vor.u32 v5, v4;
	p0 =	sne.s32 s26, $0x10;
	v61 =	vmul.f32 v49, v56;
	v62 =	vadd.f32 v59, v10  }
.Ltmp3:
0x1b7: {  	v63 =	vmul.f32 v9, v56;
	v6 =	vadd.f32 v60, v6;
	(pc) =	sbr.rel @p0 .LBB2_5-.Ltmp3, $4  }
0x1b8: {  	v5 =	vadd.f32 v61, v62  }
0x1b9: {  	v6 =	vadd.f32 v63, v6  }
0x1ba: {  	[tilespmem:v3+s25+$0x0] =	vst.idx.msk $0xffff, v5  }
0x1bb: {  	[tilespmem:v4+s25+$0x0] =	vst.idx.msk $0xffff, v6  }
0x1bc: {  	s0 =	rddreg [dreg:$0xd]  }
0x1bd: {  	s4 =	rddreg [dreg:$0x1];
	s0 =	sshll.u32 s0, $0x2  }
0x1be: {  	s30 =	simm.s32 $0x0;
	s28 =	simm.s32 $0x2;
	s0 =	sadd.s32 s4, s0  }
0x1bf: {  	[hbm4b:s0+s30] =	stream.linear.scatter [tilespmem:s25], [sflag:$0x2], $0x2000, $0x38;
	[tilespmem:$0xC160] =	vst v63  }
0x1c0: {  	_ =	swait.ge [sflag:s28], $0x2000  }
0x1c1: {  	s31 =	rddreg [dreg:$0xc]  }
0x1c2: {  	s0 =	sadd.s32 $0x1, s31  }
0x1c3: {  	p0 =	sne.s32 s0, $0x10  }
.Ltmp4:
0x1c4: {  	_ = 	snop;
	(pc) =	sbr.rel @p0 .LBB2_2-.Ltmp4, $3  }
0x1c5: {  	_ =	sdelay $0x1  }
0x1c6: {  	[sflag:s28] =	ssyncset.done $0x0  }
0x1c7: {  	[sflag:s28] =	ssyncadd.s32 $0xFFFFE000  }
0x1c8: {  	s4 =	rddreg [dreg:$0xb]  }
0x1c9: {  	s0 =	rddreg [dreg:$0xa];
	s4 =	sadd.s32 $0x1, s4  }
0x1ca: {  	p0 =	sne.s32 s4, s0  }
.Ltmp5:
0x1cb: {  	_ = 	snop;
	(pc) =	sbr.rel @p0 .LBB2_1-.Ltmp5, $1  }
0x1cc: {  	_ =	sdelay $0x3  }
0x1cd: {  	_ =	sfence.sel $0x180000  }
0x1ce: {  	[bflag:$0x0] =	sbarrier.arrive $0xFFFF  }
0x1cf: {  	_ =	strace $0x9000004A  }
0x1d0: {  	s0 =	stileid.u32;
	[bflag:$0x2] =	sbarrier.arrive $0xFFFF  }
0x1d1: {  	p0 =	sne.s32 s0, $0x0;
	s0 =	rddreg [dreg:$0x2]  }
0x1d2: {  	s0 =	sadd.s32 @!p0 $0x100000, s0  }
0x1d3: {  	[sflag:s0] =	ssyncadd.tile.s32 @!p0 $0x1;
	_ =	shalt  }
.Lfunc_end2:
_tile_overlayer_lowered:
.L_overlay_start_2:
0x1d4: {  	(tag) =	ssettag $0x2  }
0x1d5: {  	s0 =	rddreg [dreg:$0x0];
	s2 =	stileid.u32  }
0x1d6: {  	s1 =	rddreg [dreg:$0x1];
	p0 =	sne.s32 s2, $0x0  }
0x1d7: {  	s3 =	rddreg [dreg:$0x2];
	[bflag:$0x3] =	sbarrier.arrive $0xFFFF;
	s2 =	simm.s32 @!p0 $0x1C02  }
0x1d8: {  	[timem:s3], [sflag:s2] =	dma.local @!p0 [hbm:s0], s1  }
0x1d9: {  	s0 =	simm.s32 @!p0 $0x2  }
0x1da: {  	_ =	swait.ge @!p0 [sflag:s0], s1  }
0x1db: {  	s1 =	ssub.s32 @!p0 $0x0, s1;
	[sflag:s0] =	ssyncset.done @!p0 $0x0  }
0x1dc: {  	[sflag:s0] =	ssyncadd.s32 @!p0 s1  }
0x1dd: {  	[bflag:$0x3] =	sbarrier.arrive $0xFFFF  }
0x1de: {  	_ =	shalt  }

</sc_bundles>
